<compile_context>
chip_gen: v7x
topology: tpu7x:2x2x1
jax: 0.10.2.dev20260603
libtpu: 0.0.44.dev20260713+nightly
codegen_flags: <defaults>
</compile_context>

<pallas_src>
import dataclasses
import functools

import jax
import jax.numpy as jnp
import numpy as np
from jax import lax
from jax.experimental import pallas as pl
from jax.experimental.pallas import tpu as pltpu
from jax.experimental.pallas import tpu_sc as plsc

_F = 26
_D = 16
_A = 16
_G = 8
_L = 128
_CHUNK = 128


def _sc_gather(emb_table, lin128, eidx, lrow, lcol, batch):
    mesh = plsc.VectorSubcoreMesh(core_axis_name="core", subcore_axis_name="subcore")
    cp = pltpu.CompilerParams()
    for fld, val in (("needs_layout_passes", False),
                     ("use_tc_tiling_on_sc", False)):
        if fld in pltpu.CompilerParams.__dataclass_fields__:
            cp = dataclasses.replace(cp, **{fld: val})

    @functools.partial(
        pl.kernel,
        compiler_params=cp,
        out_type=(
            jax.ShapeDtypeStruct((batch // _G, _F, _G * _D), jnp.float32),
            jax.ShapeDtypeStruct((batch,), jnp.float32),
        ),
        mesh=mesh,
        scratch_types=[
            pltpu.VMEM((_CHUNK,), jnp.int32),
            pltpu.VMEM((_CHUNK, _D), jnp.float32),
            pltpu.VMEM((_CHUNK // _G, 1, _G * _D), jnp.float32),
            pltpu.VMEM((_CHUNK,), jnp.int32),
            pltpu.VMEM((_CHUNK,), jnp.int32),
            pltpu.VMEM((_CHUNK, _L), jnp.float32),
            pltpu.VMEM((_CHUNK,), jnp.float32),
            pltpu.SemaphoreType.DMA,
            pltpu.SemaphoreType.DMA,
        ],
    )
    def gather_kernel(emb_hbm, lin_hbm, ei_hbm, lr_hbm, lc_hbm,
                      oe_hbm, ol_hbm,
                      eidx_v, erows_v, pack_v, lrow_v, lcol_v,
                      lrows_v, acc_v, sem_e, sem_l):
        wid = lax.axis_index("subcore") * 2 + lax.axis_index("core")
        b0 = wid * _CHUNK
        zeros16 = jnp.zeros((16,), jnp.float32)
        iota16 = lax.iota(jnp.int32, 16)

        @pl.loop(0, _CHUNK // 16)
        def _(c):
            acc_v[pl.ds(c * 16, 16)] = zeros16

        @pl.loop(0, _F)
        def _(f):
            base = f * batch + b0
            pltpu.sync_copy(ei_hbm.at[pl.ds(base, _CHUNK)], eidx_v)
            pltpu.async_copy(emb_hbm.at[eidx_v], erows_v, sem_e).wait()

            @pl.loop(0, _CHUNK)
            def _(r):
                pack_v[r // _G, 0, pl.ds((r % _G) * _D, _D)] = erows_v[r, :]

            pltpu.sync_copy(
                pack_v, oe_hbm.at[pl.ds(wid * (_CHUNK // _G), _CHUNK // _G),
                                  pl.ds(f, 1), :])
            pltpu.sync_copy(lr_hbm.at[pl.ds(base, _CHUNK)], lrow_v)
            pltpu.sync_copy(lc_hbm.at[pl.ds(base, _CHUNK)], lcol_v)
            pltpu.async_copy(lin_hbm.at[lrow_v], lrows_v, sem_l).wait()

            @pl.loop(0, _CHUNK // 16)
            def _(c):
                rows = iota16 + c * 16
                cols = lcol_v[pl.ds(c * 16, 16)]
                vals = plsc.load_gather(lrows_v, [rows, cols])
                acc_v[pl.ds(c * 16, 16)] += vals

        pltpu.sync_copy(acc_v, ol_hbm.at[pl.ds(b0, _CHUNK)])

    return gather_kernel(emb_table, lin128, eidx, lrow, lcol)


def _afm_body(e_ref, lin_ref, bdw_ref, bdp_ref, bdf_ref, attn_bt_ref, bias_ref,
              out_ref):
    n_groups = e_ref.shape[0]
    pair_iota = jax.lax.broadcasted_iota(jnp.int32, (_F * _F, 1), 0)
    valid = (pair_iota // _F) < (pair_iota % _F)
    attn_bt = attn_bt_ref[...]
    rows = []
    for g in range(n_groups):
        e8 = e_ref[g, :, :]
        i8 = (e8[:, None, :] * e8[None, :, :]).reshape(_F * _F, _G * _D)
        attn = jnp.maximum(
            jnp.dot(i8, bdw_ref[...], preferred_element_type=jnp.float32)
            + attn_bt, 0.0)
        logits = jnp.dot(attn, bdp_ref[...],
                         preferred_element_type=jnp.float32)
        logits = jnp.where(valid, logits, -1e30)
        mx = jnp.max(logits, axis=0, keepdims=True)
        ex = jnp.where(valid, jnp.exp(logits - mx), 0.0)
        scores = ex / jnp.sum(ex, axis=0, keepdims=True)
        rows.append(jnp.sum(scores * i8, axis=0, keepdims=True))
    ao = jnp.concatenate(rows, axis=0)
    afm = jnp.dot(ao, bdf_ref[...], preferred_element_type=jnp.float32)
    out_ref[...] = afm + lin_ref[...] + bias_ref[...]


def _afm_tc(e_packed, lin_sums8, bdw, bdp, bdf, attn_bt, bias, batch):
    n_groups_blk = _CHUNK // _G
    grid = (batch // _CHUNK,)
    return pl.pallas_call(
        _afm_body,
        grid=grid,
        in_specs=[
            pl.BlockSpec((n_groups_blk, _F, _G * _D), lambda i: (i, 0, 0)),
            pl.BlockSpec((n_groups_blk, _G), lambda i: (i, 0)),
            pl.BlockSpec((_G * _D, _G * _D), lambda i: (0, 0)),
            pl.BlockSpec((_G * _D, _G * _D), lambda i: (0, 0)),
            pl.BlockSpec((_G * _D, _G), lambda i: (0, 0)),
            pl.BlockSpec((1, _G * _D), lambda i: (0, 0)),
            pl.BlockSpec((1, 1), lambda i: (0, 0)),
        ],
        out_specs=pl.BlockSpec((n_groups_blk, _G), lambda i: (i, 0)),
        out_shape=jax.ShapeDtypeStruct((batch // _G, _G), jnp.float32),
    )(e_packed, lin_sums8, bdw, bdp, bdf, attn_bt, bias)


def kernel(x, emb_table, lin_table, lin_bias, attn_W, attn_b, proj_W, proj_b,
           fc_W, fc_b):
    batch, num_fields = x.shape
    field_dim = emb_table.shape[0] // num_fields
    offsets = (jnp.arange(num_fields, dtype=x.dtype) * field_dim)[None, :]
    idxf = ((x + offsets).T).reshape(-1)

    nlin = lin_table.shape[0]
    npad = (-nlin) % _L
    lin128 = jnp.pad(lin_table.reshape(-1), (0, npad)).reshape(-1, _L)

    e_packed, lin_sums = _sc_gather(emb_table, lin128, idxf,
                                    idxf // _L, idxf % _L, batch)

    eye = jnp.eye(_G, dtype=jnp.float32)
    bdw = jnp.kron(eye, attn_W)
    bdp = jnp.kron(eye, jnp.outer(proj_W[:, 0], jnp.ones((_D,), jnp.float32)))
    bdf = jnp.kron(eye, fc_W)
    attn_bt = jnp.tile(attn_b, (_G,))[None, :]
    bias = (fc_b + lin_bias).reshape(1, 1)

    out = _afm_tc(e_packed, lin_sums.reshape(batch // _G, _G), bdw, bdp, bdf,
                  attn_bt, bias, batch)
    return out.reshape(batch)

# --- scband reference (transcript-rebuilt; emitter-appended) ---
"""Pipeline reference for scband-attentional-factorization-machine-model-20109036879911 (READ-ONLY COPY).

The authoritative reference and input builder live on the scoring server;
editing this copy changes nothing except your own understanding.
"""

import jax, jax.numpy as jnp
import numpy as np

NUM_FIELDS = 26
FIELD_DIM = 100000
TOTAL_ROWS = NUM_FIELDS * FIELD_DIM
EMBED_DIM = 16
ATTN_SIZE = 16
BATCH = 4096


def setup_inputs(seed: int = 0) -> dict:
    key = jax.random.key(seed)
    ks = jax.random.split(key, 8)
    x = jax.random.randint(ks[0], (BATCH, NUM_FIELDS), 0, FIELD_DIM, dtype=jnp.int32)
    emb_table = jax.random.normal(ks[1], (TOTAL_ROWS, EMBED_DIM), dtype=jnp.float32) * 0.01
    lin_table = jax.random.normal(ks[2], (TOTAL_ROWS, 1), dtype=jnp.float32) * 0.01
    lin_bias = jnp.zeros((1,), dtype=jnp.float32)
    attn_W = jax.random.normal(ks[3], (EMBED_DIM, ATTN_SIZE), dtype=jnp.float32) * 0.1
    attn_b = jnp.zeros((ATTN_SIZE,), dtype=jnp.float32)
    proj_W = jax.random.normal(ks[4], (ATTN_SIZE, 1), dtype=jnp.float32) * 0.1
    proj_b = jnp.zeros((1,), dtype=jnp.float32)
    fc_W = jax.random.normal(ks[5], (EMBED_DIM, 1), dtype=jnp.float32) * 0.1
    fc_b = jnp.zeros((1,), dtype=jnp.float32)
    return {"x": x, "emb_table": emb_table, "lin_table": lin_table, "lin_bias": lin_bias,
            "attn_W": attn_W, "attn_b": attn_b, "proj_W": proj_W, "proj_b": proj_b,
            "fc_W": fc_W, "fc_b": fc_b}


def reference(x, emb_table, lin_table, lin_bias, attn_W, attn_b, proj_W, proj_b, fc_W, fc_b):
    # FeaturesEmbedding: add per-field offsets, gather from the fused table
    offsets = jnp.asarray(np.arange(NUM_FIELDS) * FIELD_DIM, dtype=x.dtype)
    idx = x + offsets[None, :]                       # [B, F]
    emb = jnp.take(emb_table, idx, axis=0)           # [B, F, D]
    # AttentionalFactorizationMachine (eval mode -> dropouts are identity)
    row, col = np.triu_indices(NUM_FIELDS, k=1)      # all i<j field pairs (325 pairs)
    p = emb[:, row, :]                               # [B, P, D]
    q = emb[:, col, :]                               # [B, P, D]
    inner = p * q                                    # [B, P, D]
    attn = jax.nn.relu(inner @ attn_W + attn_b)      # [B, P, A]
    scores = jax.nn.softmax(attn @ proj_W + proj_b, axis=1)  # [B, P, 1]
    attn_out = jnp.sum(scores * inner, axis=1)       # [B, D]
    afm = attn_out @ fc_W + fc_b                     # [B, 1]
    # FeaturesLinear
    lin = jnp.sum(jnp.take(lin_table, idx, axis=0), axis=1) + lin_bias  # [B, 1]
    out = jnp.squeeze(afm + lin, axis=1)             # [B]
    return out

if __name__ == "__main__":
    import jax
    _d = setup_inputs()
    print(jax.jit(kernel)(*tuple(_d.values())))

</pallas_src>

<mosaic_0001>
#map = affine_map<(d0, d1) -> (0, 0)>
#map1 = affine_map<(d0, d1) -> (0)>
#map2 = affine_map<(d0, d1) -> (0, 0, 0)>
module attributes {stable_mosaic.version = 14 : i64} {
  func.func @gather_kernel(%arg0: i32, %arg1: i32, %arg2: memref<2600000x16xf32, #tpu.memory_space<hbm>>, %arg3: memref<20313x128xf32, #tpu.memory_space<hbm>>, %arg4: memref<106496xi32, #tpu.memory_space<hbm>>, %arg5: memref<106496xi32, #tpu.memory_space<hbm>>, %arg6: memref<106496xi32, #tpu.memory_space<hbm>>, %arg7: memref<512x26x128xf32, #tpu.memory_space<hbm>>, %arg8: memref<4096xf32, #tpu.memory_space<hbm>>, %arg9: memref<128xi32, #tpu.memory_space<vmem>>, %arg10: memref<128x16xf32, #tpu.memory_space<vmem>>, %arg11: memref<16x1x128xf32, #tpu.memory_space<vmem>>, %arg12: memref<128xi32, #tpu.memory_space<vmem>>, %arg13: memref<128xi32, #tpu.memory_space<vmem>>, %arg14: memref<128x128xf32, #tpu.memory_space<vmem>>, %arg15: memref<128xf32, #tpu.memory_space<vmem>>, %arg16: memref<!tpu.dma_semaphore, #tpu.memory_space<semaphore_mem>>, %arg17: memref<!tpu.dma_semaphore, #tpu.memory_space<semaphore_mem>>) attributes {dimension_semantics = [#tpu.dimension_semantics<core_parallel>, #tpu.dimension_semantics<subcore_parallel>], iteration_bounds = array<i64: 2, 16>, scalar_prefetch = 0 : i64, scratch_operands = 9 : i64, tpu.core_type = #tpu.core_type<sc_vector_subcore>, window_params = [{transform_indices = #map}, {transform_indices = #map}, {transform_indices = #map1}, {transform_indices = #map1}, {transform_indices = #map1}, {transform_indices = #map2}, {transform_indices = #map1}]} {
    %mul3A = arith.constant 2 : i32
    %mul3A_0 = arith.muli %arg1, %mul3A : i32
    %add3A = arith.addi %mul3A_0, %arg0 : i32
    %mul3A_1 = arith.constant 128 : i32
    %mul3A_2 = arith.muli %add3A, %mul3A_1 : i32
    %broadcast_in_dim3A = arith.constant 0.000000e+00 : f32
    %broadcast_in_dim3A_3 = vector.broadcast %broadcast_in_dim3A : f32 to vector<16xf32>
    %iota3A = tpu.iota {dimensions = array<i32: 0>} : vector<16xi32>
    %scan3A = arith.constant 0 : i32
    %scan3A_4 = arith.constant 8 : i32
    %scan3A_5 = arith.addi %scan3A, %scan3A_4 : i32
    %scan3A_6 = arith.constant 1 : i32
    scf.for %scan3A_13 = %scan3A to %scan3A_5 step %scan3A_6  : i32 {
      %mul3A_14 = arith.constant 1 : i32
      %mul3A_15 = arith.muli %scan3A_13, %mul3A_14 : i32
      %add3A_16 = arith.constant 0 : i32
      %add3A_17 = arith.addi %add3A_16, %mul3A_15 : i32
      %mul3A_18 = arith.constant 16 : i32
      %mul3A_19 = arith.muli %add3A_17, %mul3A_18 : i32
      %swap3A = arith.index_cast %mul3A_19 : i32 to index
      %swap3A_20 = tpu.vector_load %arg15[%swap3A] {strides = array<i32>} : memref<128xf32, #tpu.memory_space<vmem>>, vector<16xf32>,
      tpu.vector_store %arg15[%swap3A], %broadcast_in_dim3A_3 {strides = array<i32>} : memref<128xf32, #tpu.memory_space<vmem>>, vector<16xf32>,
    }
    %scan3A_7 = arith.constant 8 : i32
    %scan3A_8 = arith.constant 0 : i32
    %scan3A_9 = arith.constant 26 : i32
    %scan3A_10 = arith.addi %scan3A_8, %scan3A_9 : i32
    %scan3A_11 = arith.constant 1 : i32
    scf.for %scan3A_13 = %scan3A_8 to %scan3A_10 step %scan3A_11  : i32 {
      %mul3A_14 = arith.constant 1 : i32
      %mul3A_15 = arith.muli %scan3A_13, %mul3A_14 : i32
      %add3A_16 = arith.constant 0 : i32
      %add3A_17 = arith.addi %add3A_16, %mul3A_15 : i32
      %mul3A_18 = arith.constant 4096 : i32
      %mul3A_19 = arith.muli %add3A_17, %mul3A_18 : i32
      %add3A_20 = arith.addi %mul3A_19, %mul3A_2 : i32
      "tpu.region"() ({
        %run_scoped3A = tpu.sem_alloc : memref<!tpu.dma_semaphore, #tpu.memory_space<semaphore_mem>>
        %dma_start3A_43 = tpu.memref_slice %arg4[%add3A_20] : memref<106496xi32, #tpu.memory_space<hbm>> -> memref<128xi32, #tpu.memory_space<hbm>>
        %dma_start3A_44 = tpu.memref_slice %arg4[%add3A_20] : memref<106496xi32, #tpu.memory_space<hbm>> -> memref<128xi32, #tpu.memory_space<hbm>>
        tpu.enqueue_dma source(%dma_start3A_44 : memref<128xi32, #tpu.memory_space<hbm>>) target(%arg9 : memref<128xi32, #tpu.memory_space<vmem>>) target_semaphore(%run_scoped3A : memref<!tpu.dma_semaphore, #tpu.memory_space<semaphore_mem>>)
        %dma_wait3A_45 = tpu.memref_slice %arg4[%add3A_20] : memref<106496xi32, #tpu.memory_space<hbm>> -> memref<128xi32, #tpu.memory_space<hbm>>
        %dma_wait3A_46 = tpu.memref_slice %arg4[%add3A_20] : memref<106496xi32, #tpu.memory_space<hbm>> -> memref<128xi32, #tpu.memory_space<hbm>>
        tpu.wait_dma2 semaphore(%run_scoped3A : memref<!tpu.dma_semaphore, #tpu.memory_space<semaphore_mem>>) src(%dma_wait3A_46 : memref<128xi32, #tpu.memory_space<hbm>>) dst(%arg9 : memref<128xi32, #tpu.memory_space<vmem>>)
        tpu.yield
      }) : () -> ()
      %dma_start3A = arith.constant 0 : i32
      %dma_start3A_21 = arith.constant 0 : i32
      %dma_start3A_22 = tpu.memref_slice %arg2[%dma_start3A, %dma_start3A_21] : memref<2600000x16xf32, #tpu.memory_space<hbm>> -> memref<2600000x16xf32, #tpu.memory_space<hbm>>
      tpu.enqueue_indirect_dma source(%dma_start3A_22 : memref<2600000x16xf32, #tpu.memory_space<hbm>>) target(%arg10 : memref<128x16xf32, #tpu.memory_space<vmem>>) offsets(%arg9 : memref<128xi32, #tpu.memory_space<vmem>>) semaphore(%arg16 : memref<!tpu.dma_semaphore, #tpu.memory_space<semaphore_mem>>)
      %dma_wait3A = arith.constant 0 : i32
      %dma_wait3A_23 = arith.constant 0 : i32
      %dma_wait3A_24 = tpu.memref_slice %arg2[%dma_wait3A, %dma_wait3A_23] : memref<2600000x16xf32, #tpu.memory_space<hbm>> -> memref<2600000x16xf32, #tpu.memory_space<hbm>>
      tpu.wait_indirect_dma semaphore(%arg16 : memref<!tpu.dma_semaphore, #tpu.memory_space<semaphore_mem>>) src(%dma_wait3A_24 : memref<2600000x16xf32, #tpu.memory_space<hbm>>) dst(%arg10 : memref<128x16xf32, #tpu.memory_space<vmem>>)
      %scan3A_25 = arith.constant 0 : i32
      %scan3A_26 = arith.constant 128 : i32
      %scan3A_27 = arith.addi %scan3A_25, %scan3A_26 : i32
      %scan3A_28 = arith.constant 1 : i32
      scf.for %scan3A_43 = %scan3A_25 to %scan3A_27 step %scan3A_28  : i32 {
        %mul3A_44 = arith.constant 1 : i32
        %mul3A_45 = arith.muli %scan3A_43, %mul3A_44 : i32
        %add3A_46 = arith.constant 0 : i32
        %add3A_47 = arith.addi %add3A_46, %mul3A_45 : i32
        %get3A = arith.index_cast %add3A_47 : i32 to index
        %get3A_48 = arith.constant 0 : index
        %get3A_49 = tpu.vector_load %arg10[%get3A, %get3A_48] {strides = array<i32>} : memref<128x16xf32, #tpu.memory_space<vmem>>, vector<16xf32>,
        %jit3A = arith.constant 8 : i32
        %div3A = arith.divsi %add3A_47, %jit3A : i32
        %sign3A = arith.constant 0 : i32
        %sign3A_50 = arith.cmpi sgt, %add3A_47, %sign3A : i32
        %sign3A_51 = arith.extui %sign3A_50 : i1 to i32
        %sign3A_52 = arith.constant 0 : i32
        %sign3A_53 = arith.cmpi slt, %add3A_47, %sign3A_52 : i32
        %sign3A_54 = arith.extui %sign3A_53 : i1 to i32
        %sign3A_55 = arith.subi %sign3A_51, %sign3A_54 : i32
        %sign3A_56 = arith.constant 0 : i32
        %sign3A_57 = arith.cmpi sgt, %jit3A, %sign3A_56 : i32
        %sign3A_58 = arith.extui %sign3A_57 : i1 to i32
        %sign3A_59 = arith.constant 0 : i32
        %sign3A_60 = arith.cmpi slt, %jit3A, %sign3A_59 : i32
        %sign3A_61 = arith.extui %sign3A_60 : i1 to i32
        %sign3A_62 = arith.subi %sign3A_58, %sign3A_61 : i32
        %ne3A = arith.cmpi ne, %sign3A_55, %sign3A_62 : i32
        %rem3A = arith.remsi %add3A_47, %jit3A : i32
        %ne3A_63 = arith.constant 0 : i32
        %ne3A_64 = arith.cmpi ne, %rem3A, %ne3A_63 : i32
        %and3A = arith.andi %ne3A, %ne3A_64 : i1
        %sub3A = arith.constant 1 : i32
        %sub3A_65 = arith.subi %div3A, %sub3A : i32
        %select_n3A = arith.select %and3A, %sub3A_65, %div3A : i32
        %jit3A_66 = arith.constant 8 : i32
        %eq3A = arith.constant 0 : i32
        %eq3A_67 = arith.cmpi eq, %jit3A_66, %eq3A : i32
        %jit3A_68 = arith.constant 1 : i32
        %select_n3A_69 = arith.select %eq3A_67, %jit3A_68, %jit3A_66 : i32
        %rem3A_70 = arith.remsi %add3A_47, %select_n3A_69 : i32
        %ne3A_71 = arith.constant 0 : i32
        %ne3A_72 = arith.cmpi ne, %rem3A_70, %ne3A_71 : i32
        %lt3A = arith.constant 0 : i32
        %lt3A_73 = arith.cmpi slt, %rem3A_70, %lt3A : i32
        %lt3A_74 = arith.constant 0 : i32
        %lt3A_75 = arith.cmpi slt, %select_n3A_69, %lt3A_74 : i32
        %ne3A_76 = arith.xori %lt3A_73, %lt3A_75 : i1
        %and3A_77 = arith.andi %ne3A_76, %ne3A_72 : i1
        %add3A_78 = arith.addi %rem3A_70, %select_n3A_69 : i32
        %select_n3A_79 = arith.select %and3A_77, %add3A_78, %rem3A_70 : i32
        %mul3A_80 = arith.constant 16 : i32
        %mul3A_81 = arith.muli %select_n3A_79, %mul3A_80 : i32
        %swap3A = arith.constant 0 : i32
        %swap3A_82 = arith.index_cast %select_n3A : i32 to index
        %swap3A_83 = arith.index_cast %swap3A : i32 to index
        %swap3A_84 = arith.index_cast %mul3A_81 : i32 to index
        %swap3A_85 = tpu.vector_load %arg11[%swap3A_82, %swap3A_83, %swap3A_84] {strides = array<i32>} : memref<16x1x128xf32, #tpu.memory_space<vmem>>, vector<16xf32>,
        tpu.vector_store %arg11[%swap3A_82, %swap3A_83, %swap3A_84], %get3A_49 {strides = array<i32>} : memref<16x1x128xf32, #tpu.memory_space<vmem>>, vector<16xf32>,
      }
      %scan3A_29 = arith.constant 128 : i32
      %mul3A_30 = arith.constant 16 : i32
      %mul3A_31 = arith.muli %add3A, %mul3A_30 : i32
      "tpu.region"() ({
        %run_scoped3A = tpu.sem_alloc : memref<!tpu.dma_semaphore, #tpu.memory_space<semaphore_mem>>
        %dma_start3A_43 = arith.constant 0 : i32
        %dma_start3A_44 = tpu.memref_slice %arg7[%mul3A_31, %add3A_17, %dma_start3A_43] : memref<512x26x128xf32, #tpu.memory_space<hbm>> -> memref<16x1x128xf32, #tpu.memory_space<hbm>>
        %dma_start3A_45 = arith.constant 0 : i32
        %dma_start3A_46 = tpu.memref_slice %arg7[%mul3A_31, %add3A_17, %dma_start3A_45] : memref<512x26x128xf32, #tpu.memory_space<hbm>> -> memref<16x1x128xf32, #tpu.memory_space<hbm>>
        tpu.enqueue_dma source(%arg11 : memref<16x1x128xf32, #tpu.memory_space<vmem>>) target(%dma_start3A_46 : memref<16x1x128xf32, #tpu.memory_space<hbm>>) target_semaphore(%run_scoped3A : memref<!tpu.dma_semaphore, #tpu.memory_space<semaphore_mem>>)
        %dma_wait3A_47 = arith.constant 0 : i32
        %dma_wait3A_48 = tpu.memref_slice %arg7[%mul3A_31, %add3A_17, %dma_wait3A_47] : memref<512x26x128xf32, #tpu.memory_space<hbm>> -> memref<16x1x128xf32, #tpu.memory_space<hbm>>
        %dma_wait3A_49 = arith.constant 0 : i32
        %dma_wait3A_50 = tpu.memref_slice %arg7[%mul3A_31, %add3A_17, %dma_wait3A_49] : memref<512x26x128xf32, #tpu.memory_space<hbm>> -> memref<16x1x128xf32, #tpu.memory_space<hbm>>
        tpu.wait_dma2 semaphore(%run_scoped3A : memref<!tpu.dma_semaphore, #tpu.memory_space<semaphore_mem>>) src(%arg11 : memref<16x1x128xf32, #tpu.memory_space<vmem>>) dst(%dma_wait3A_50 : memref<16x1x128xf32, #tpu.memory_space<hbm>>)
        tpu.yield
      }) : () -> ()
      "tpu.region"() ({
        %run_scoped3A = tpu.sem_alloc : memref<!tpu.dma_semaphore, #tpu.memory_space<semaphore_mem>>
        %dma_start3A_43 = tpu.memref_slice %arg5[%add3A_20] : memref<106496xi32, #tpu.memory_space<hbm>> -> memref<128xi32, #tpu.memory_space<hbm>>
        %dma_start3A_44 = tpu.memref_slice %arg5[%add3A_20] : memref<106496xi32, #tpu.memory_space<hbm>> -> memref<128xi32, #tpu.memory_space<hbm>>
        tpu.enqueue_dma source(%dma_start3A_44 : memref<128xi32, #tpu.memory_space<hbm>>) target(%arg12 : memref<128xi32, #tpu.memory_space<vmem>>) target_semaphore(%run_scoped3A : memref<!tpu.dma_semaphore, #tpu.memory_space<semaphore_mem>>)
        %dma_wait3A_45 = tpu.memref_slice %arg5[%add3A_20] : memref<106496xi32, #tpu.memory_space<hbm>> -> memref<128xi32, #tpu.memory_space<hbm>>
        %dma_wait3A_46 = tpu.memref_slice %arg5[%add3A_20] : memref<106496xi32, #tpu.memory_space<hbm>> -> memref<128xi32, #tpu.memory_space<hbm>>
        tpu.wait_dma2 semaphore(%run_scoped3A : memref<!tpu.dma_semaphore, #tpu.memory_space<semaphore_mem>>) src(%dma_wait3A_46 : memref<128xi32, #tpu.memory_space<hbm>>) dst(%arg12 : memref<128xi32, #tpu.memory_space<vmem>>)
        tpu.yield
      }) : () -> ()
      "tpu.region"() ({
        %run_scoped3A = tpu.sem_alloc : memref<!tpu.dma_semaphore, #tpu.memory_space<semaphore_mem>>
        %dma_start3A_43 = tpu.memref_slice %arg6[%add3A_20] : memref<106496xi32, #tpu.memory_space<hbm>> -> memref<128xi32, #tpu.memory_space<hbm>>
        %dma_start3A_44 = tpu.memref_slice %arg6[%add3A_20] : memref<106496xi32, #tpu.memory_space<hbm>> -> memref<128xi32, #tpu.memory_space<hbm>>
        tpu.enqueue_dma source(%dma_start3A_44 : memref<128xi32, #tpu.memory_space<hbm>>) target(%arg13 : memref<128xi32, #tpu.memory_space<vmem>>) target_semaphore(%run_scoped3A : memref<!tpu.dma_semaphore, #tpu.memory_space<semaphore_mem>>)
        %dma_wait3A_45 = tpu.memref_slice %arg6[%add3A_20] : memref<106496xi32, #tpu.memory_space<hbm>> -> memref<128xi32, #tpu.memory_space<hbm>>
        %dma_wait3A_46 = tpu.memref_slice %arg6[%add3A_20] : memref<106496xi32, #tpu.memory_space<hbm>> -> memref<128xi32, #tpu.memory_space<hbm>>
        tpu.wait_dma2 semaphore(%run_scoped3A : memref<!tpu.dma_semaphore, #tpu.memory_space<semaphore_mem>>) src(%dma_wait3A_46 : memref<128xi32, #tpu.memory_space<hbm>>) dst(%arg13 : memref<128xi32, #tpu.memory_space<vmem>>)
        tpu.yield
      }) : () -> ()
      %dma_start3A_32 = arith.constant 0 : i32
      %dma_start3A_33 = arith.constant 0 : i32
      %dma_start3A_34 = tpu.memref_slice %arg3[%dma_start3A_32, %dma_start3A_33] : memref<20313x128xf32, #tpu.memory_space<hbm>> -> memref<20313x128xf32, #tpu.memory_space<hbm>>
      tpu.enqueue_indirect_dma source(%dma_start3A_34 : memref<20313x128xf32, #tpu.memory_space<hbm>>) target(%arg14 : memref<128x128xf32, #tpu.memory_space<vmem>>) offsets(%arg12 : memref<128xi32, #tpu.memory_space<vmem>>) semaphore(%arg17 : memref<!tpu.dma_semaphore, #tpu.memory_space<semaphore_mem>>)
      %dma_wait3A_35 = arith.constant 0 : i32
      %dma_wait3A_36 = arith.constant 0 : i32
      %dma_wait3A_37 = tpu.memref_slice %arg3[%dma_wait3A_35, %dma_wait3A_36] : memref<20313x128xf32, #tpu.memory_space<hbm>> -> memref<20313x128xf32, #tpu.memory_space<hbm>>
      tpu.wait_indirect_dma semaphore(%arg17 : memref<!tpu.dma_semaphore, #tpu.memory_space<semaphore_mem>>) src(%dma_wait3A_37 : memref<20313x128xf32, #tpu.memory_space<hbm>>) dst(%arg14 : memref<128x128xf32, #tpu.memory_space<vmem>>)
      %scan3A_38 = arith.constant 0 : i32
      %scan3A_39 = arith.constant 8 : i32
      %scan3A_40 = arith.addi %scan3A_38, %scan3A_39 : i32
      %scan3A_41 = arith.constant 1 : i32
      scf.for %scan3A_43 = %scan3A_38 to %scan3A_40 step %scan3A_41  : i32 {
        %mul3A_44 = arith.constant 1 : i32
        %mul3A_45 = arith.muli %scan3A_43, %mul3A_44 : i32
        %add3A_46 = arith.constant 0 : i32
        %add3A_47 = arith.addi %add3A_46, %mul3A_45 : i32
        %mul3A_48 = arith.constant 16 : i32
        %mul3A_49 = arith.muli %add3A_47, %mul3A_48 : i32
        %add3A_50 = vector.broadcast %mul3A_49 : i32 to vector<16xi32>
        %add3A_51 = arith.addi %iota3A, %add3A_50 : vector<16xi32>
        %mul3A_52 = arith.constant 16 : i32
        %mul3A_53 = arith.muli %add3A_47, %mul3A_52 : i32
        %get3A = arith.index_cast %mul3A_53 : i32 to index
        %get3A_54 = tpu.vector_load %arg13[%get3A] {strides = array<i32>} : memref<128xi32, #tpu.memory_space<vmem>>, vector<16xi32>,
        %gather3A = tpu.vector_load_idx %arg14[%add3A_51, %get3A_54] : memref<128x128xf32, #tpu.memory_space<vmem>>[vector<16xi32>, vector<16xi32>], vector<16xf32>,
        %mul3A_55 = arith.constant 16 : i32
        %mul3A_56 = arith.muli %add3A_47, %mul3A_55 : i32
        %get3A_57 = arith.index_cast %mul3A_56 : i32 to index
        %get3A_58 = tpu.vector_load %arg15[%get3A_57] {strides = array<i32>} : memref<128xf32, #tpu.memory_space<vmem>>, vector<16xf32>,
        %add3A_59 = arith.addf %get3A_58, %gather3A : vector<16xf32>
        %swap3A = arith.index_cast %mul3A_56 : i32 to index
        %swap3A_60 = tpu.vector_load %arg15[%swap3A] {strides = array<i32>} : memref<128xf32, #tpu.memory_space<vmem>>, vector<16xf32>,
        tpu.vector_store %arg15[%swap3A], %add3A_59 {strides = array<i32>} : memref<128xf32, #tpu.memory_space<vmem>>, vector<16xf32>,
      }
      %scan3A_42 = arith.constant 8 : i32
    }
    %scan3A_12 = arith.constant 26 : i32
    "tpu.region"() ({
      %run_scoped3A = tpu.sem_alloc : memref<!tpu.dma_semaphore, #tpu.memory_space<semaphore_mem>>
      %dma_start3A = tpu.memref_slice %arg8[%mul3A_2] : memref<4096xf32, #tpu.memory_space<hbm>> -> memref<128xf32, #tpu.memory_space<hbm>>
      %dma_start3A_13 = tpu.memref_slice %arg8[%mul3A_2] : memref<4096xf32, #tpu.memory_space<hbm>> -> memref<128xf32, #tpu.memory_space<hbm>>
      tpu.enqueue_dma source(%arg15 : memref<128xf32, #tpu.memory_space<vmem>>) target(%dma_start3A_13 : memref<128xf32, #tpu.memory_space<hbm>>) target_semaphore(%run_scoped3A : memref<!tpu.dma_semaphore, #tpu.memory_space<semaphore_mem>>)
      %dma_wait3A = tpu.memref_slice %arg8[%mul3A_2] : memref<4096xf32, #tpu.memory_space<hbm>> -> memref<128xf32, #tpu.memory_space<hbm>>
      %dma_wait3A_14 = tpu.memref_slice %arg8[%mul3A_2] : memref<4096xf32, #tpu.memory_space<hbm>> -> memref<128xf32, #tpu.memory_space<hbm>>
      tpu.wait_dma2 semaphore(%run_scoped3A : memref<!tpu.dma_semaphore, #tpu.memory_space<semaphore_mem>>) src(%arg15 : memref<128xf32, #tpu.memory_space<vmem>>) dst(%dma_wait3A_14 : memref<128xf32, #tpu.memory_space<hbm>>)
      tpu.yield
    }) : () -> ()
    return
  }
}

module attributes {stable_mosaic.version = 14 : i64} {
  func.func @_afm_body(%arg0: i32, %arg1: memref<16x26x128xf32, #tpu.memory_space<vmem>>, %arg2: memref<16x8xf32, #tpu.memory_space<vmem>>, %arg3: memref<128x128xf32, #tpu.memory_space<vmem>>, %arg4: memref<128x128xf32, #tpu.memory_space<vmem>>, %arg5: memref<128x8xf32, #tpu.memory_space<vmem>>, %arg6: memref<1x128xf32, #tpu.memory_space<vmem>>, %arg7: memref<1x1xf32, #tpu.memory_space<vmem>>, %arg8: memref<16x8xf32, #tpu.memory_space<vmem>>) attributes {dimension_semantics = [#tpu.dimension_semantics<arbitrary>], iteration_bounds = array<i64: 32>, scalar_prefetch = 0 : i64, scratch_operands = 0 : i64, tpu.core_type = #tpu.core_type<tc>, window_params = [{transform_indices = @transform_0, window_bounds = array<i64: 16, 26, 128>}, {transform_indices = @transform_1, window_bounds = array<i64: 16, 8>}, {pipeline_mode = #tpu.pipeline_mode<synchronous>, transform_indices = @transform_2, window_bounds = array<i64: 128, 128>}, {pipeline_mode = #tpu.pipeline_mode<synchronous>, transform_indices = @transform_3, window_bounds = array<i64: 128, 128>}, {pipeline_mode = #tpu.pipeline_mode<synchronous>, transform_indices = @transform_4, window_bounds = array<i64: 128, 8>}, {pipeline_mode = #tpu.pipeline_mode<synchronous>, transform_indices = @transform_5, window_bounds = array<i64: 1, 128>}, {pipeline_mode = #tpu.pipeline_mode<synchronous>, transform_indices = @transform_6, window_bounds = array<i64: 1, 1>}, {transform_indices = @transform_7, window_bounds = array<i64: 16, 8>}]} {
    %iota3A = tpu.iota {dimensions = array<i32: 0>} : vector<676x1xi32>
    %jit3A = arith.constant 26 : i32
    %div3A = vector.broadcast %jit3A : i32 to vector<676x1xi32>
    %div3A_0 = arith.divsi %iota3A, %div3A : vector<676x1xi32>
    %sign3A = arith.constant 0 : i32
    %sign3A_1 = vector.broadcast %sign3A : i32 to vector<676x1xi32>
    %sign3A_2 = arith.cmpi sgt, %iota3A, %sign3A_1 : vector<676x1xi32>
    %sign3A_3 = arith.extui %sign3A_2 : vector<676x1xi1> to vector<676x1xi32>
    %sign3A_4 = arith.constant 0 : i32
    %sign3A_5 = vector.broadcast %sign3A_4 : i32 to vector<676x1xi32>
    %sign3A_6 = arith.cmpi slt, %iota3A, %sign3A_5 : vector<676x1xi32>
    %sign3A_7 = arith.extui %sign3A_6 : vector<676x1xi1> to vector<676x1xi32>
    %sign3A_8 = arith.subi %sign3A_3, %sign3A_7 : vector<676x1xi32>
    %sign3A_9 = arith.constant 0 : i32
    %sign3A_10 = arith.cmpi sgt, %jit3A, %sign3A_9 : i32
    %sign3A_11 = arith.extui %sign3A_10 : i1 to i32
    %sign3A_12 = arith.constant 0 : i32
    %sign3A_13 = arith.cmpi slt, %jit3A, %sign3A_12 : i32
    %sign3A_14 = arith.extui %sign3A_13 : i1 to i32
    %sign3A_15 = arith.subi %sign3A_11, %sign3A_14 : i32
    %ne3A = vector.broadcast %sign3A_15 : i32 to vector<676x1xi32>
    %ne3A_16 = arith.cmpi ne, %sign3A_8, %ne3A : vector<676x1xi32>
    %rem3A = vector.broadcast %jit3A : i32 to vector<676x1xi32>
    %rem3A_17 = arith.remsi %iota3A, %rem3A : vector<676x1xi32>
    %ne3A_18 = arith.constant 0 : i32
    %ne3A_19 = vector.broadcast %ne3A_18 : i32 to vector<676x1xi32>
    %ne3A_20 = arith.cmpi ne, %rem3A_17, %ne3A_19 : vector<676x1xi32>
    %and3A = arith.andi %ne3A_16, %ne3A_20 : vector<676x1xi1>
    %sub3A = arith.constant 1 : i32
    %sub3A_21 = vector.broadcast %sub3A : i32 to vector<676x1xi32>
    %sub3A_22 = arith.subi %div3A_0, %sub3A_21 : vector<676x1xi32>
    %select_n3A = arith.select %and3A, %sub3A_22, %div3A_0 : vector<676x1xi1>, vector<676x1xi32>
    %jit3A_23 = arith.constant 26 : i32
    %eq3A = arith.constant 0 : i32
    %eq3A_24 = arith.cmpi eq, %jit3A_23, %eq3A : i32
    %jit3A_25 = arith.constant 1 : i32
    %select_n3A_26 = arith.select %eq3A_24, %jit3A_25, %jit3A_23 : i32
    %rem3A_27 = vector.broadcast %select_n3A_26 : i32 to vector<676x1xi32>
    %rem3A_28 = arith.remsi %iota3A, %rem3A_27 : vector<676x1xi32>
    %ne3A_29 = arith.constant 0 : i32
    %ne3A_30 = vector.broadcast %ne3A_29 : i32 to vector<676x1xi32>
    %ne3A_31 = arith.cmpi ne, %rem3A_28, %ne3A_30 : vector<676x1xi32>
    %lt3A = arith.constant 0 : i32
    %lt3A_32 = vector.broadcast %lt3A : i32 to vector<676x1xi32>
    %lt3A_33 = arith.cmpi slt, %rem3A_28, %lt3A_32 : vector<676x1xi32>
    %lt3A_34 = arith.constant 0 : i32
    %lt3A_35 = arith.cmpi slt, %select_n3A_26, %lt3A_34 : i32
    %ne3A_36 = vector.broadcast %lt3A_35 : i1 to vector<676x1xi1>
    %ne3A_37 = vector.broadcast %ne3A_36 : vector<676x1xi1> to vector<676x1xi1>
    %ne3A_38 = arith.xori %lt3A_33, %ne3A_37 : vector<676x1xi1>
    %and3A_39 = arith.andi %ne3A_38, %ne3A_31 : vector<676x1xi1>
    %add3A = vector.broadcast %select_n3A_26 : i32 to vector<676x1xi32>
    %add3A_40 = arith.addi %rem3A_28, %add3A : vector<676x1xi32>
    %select_n3A_41 = arith.select %and3A_39, %add3A_40, %rem3A_28 : vector<676x1xi1>, vector<676x1xi32>
    %lt3A_42 = arith.cmpi slt, %select_n3A, %select_n3A_41 : vector<676x1xi32>
    %get3A = arith.constant 0 : index
    %get3A_43 = arith.constant 0 : index
    %get3A_44 = vector.load %arg6[%get3A, %get3A_43] : memref<1x128xf32, #tpu.memory_space<vmem>>, vector<1x128xf32>
    %get3A_45 = arith.constant 0 : index
    %get3A_46 = arith.constant 0 : index
    %get3A_47 = arith.constant 0 : index
    %get3A_48 = vector.load %arg1[%get3A_45, %get3A_46, %get3A_47] : memref<16x26x128xf32, #tpu.memory_space<vmem>>, vector<1x26x128xf32>
    %get3A_49 = vector.shape_cast %get3A_48 : vector<1x26x128xf32> to vector<26x128xf32>
    %broadcast_in_dim3A = vector.shape_cast %get3A_49 : vector<26x128xf32> to vector<26x1x128xf32>
    %broadcast_in_dim3A_50 = vector.shape_cast %get3A_49 : vector<26x128xf32> to vector<1x26x128xf32>
    %mul3A = vector.broadcast %broadcast_in_dim3A : vector<26x1x128xf32> to vector<26x26x128xf32>
    %mul3A_51 = vector.broadcast %broadcast_in_dim3A_50 : vector<1x26x128xf32> to vector<26x26x128xf32>
    %mul3A_52 = arith.mulf %mul3A, %mul3A_51 : vector<26x26x128xf32>
    %reshape3A = vector.shape_cast %mul3A_52 : vector<26x26x128xf32> to vector<676x128xf32>
    %get3A_53 = arith.constant 0 : index
    %get3A_54 = arith.constant 0 : index
    %get3A_55 = vector.load %arg3[%get3A_53, %get3A_54] : memref<128x128xf32, #tpu.memory_space<vmem>>, vector<128x128xf32>
    %dot_general3A = arith.constant dense<0.000000e+00> : vector<676x128xf32>
    %dot_general3A_56 = tpu.matmul %reshape3A, %get3A_55, %dot_general3A {dimension_numbers = #tpu.dot_dimension_numbers<[1], [0], [0], [1], [0, 0, 1, 1], [], []>, transpose_lhs_hint = false} : vector<676x128xf32>, vector<128x128xf32>, vector<676x128xf32> -> vector<676x128xf32>
    %add3A_57 = vector.broadcast %get3A_44 : vector<1x128xf32> to vector<676x128xf32>
    %add3A_58 = arith.addf %dot_general3A_56, %add3A_57 : vector<676x128xf32>
    %max3A = arith.constant 0.000000e+00 : f32
    %max3A_59 = vector.broadcast %max3A : f32 to vector<676x128xf32>
    %max3A_60 = arith.maximumf %add3A_58, %max3A_59 : vector<676x128xf32>
    %get3A_61 = arith.constant 0 : index
    %get3A_62 = arith.constant 0 : index
    %get3A_63 = vector.load %arg4[%get3A_61, %get3A_62] : memref<128x128xf32, #tpu.memory_space<vmem>>, vector<128x128xf32>
    %dot_general3A_64 = arith.constant dense<0.000000e+00> : vector<676x128xf32>
    %dot_general3A_65 = tpu.matmul %max3A_60, %get3A_63, %dot_general3A_64 {dimension_numbers = #tpu.dot_dimension_numbers<[1], [0], [0], [1], [0, 0, 1, 1], [], []>, transpose_lhs_hint = false} : vector<676x128xf32>, vector<128x128xf32>, vector<676x128xf32> -> vector<676x128xf32>
    %jit3A_66 = arith.constant -1.000000e+30 : f32
    %broadcast_in_dim3A_67 = vector.shape_cast %lt3A_42 : vector<676x1xi1> to vector<676x1xi1>
    %broadcast_in_dim3A_68 = vector.broadcast %broadcast_in_dim3A_67 : vector<676x1xi1> to vector<676x128xi1>
    %broadcast_in_dim3A_69 = vector.broadcast %jit3A_66 : f32 to vector<676x128xf32>
    %select_n3A_70 = arith.select %broadcast_in_dim3A_68, %dot_general3A_65, %broadcast_in_dim3A_69 : vector<676x128xi1>, vector<676x128xf32>
    %reduce_max3A = arith.constant dense<0xFF800000> : vector<128xf32>
    %reduce_max3A_71 = vector.multi_reduction <maximumf>, %select_n3A_70, %reduce_max3A [0] : vector<676x128xf32> to vector<128xf32>
    %broadcast_in_dim3A_72 = vector.shape_cast %reduce_max3A_71 : vector<128xf32> to vector<1x128xf32>
    %sub3A_73 = vector.broadcast %broadcast_in_dim3A_72 : vector<1x128xf32> to vector<676x128xf32>
    %sub3A_74 = arith.subf %select_n3A_70, %sub3A_73 : vector<676x128xf32>
    %exp3A = math.exp %sub3A_74 : vector<676x128xf32>
    %jit3A_75 = arith.constant 0.000000e+00 : f32
    %broadcast_in_dim3A_76 = vector.shape_cast %lt3A_42 : vector<676x1xi1> to vector<676x1xi1>
    %broadcast_in_dim3A_77 = vector.broadcast %broadcast_in_dim3A_76 : vector<676x1xi1> to vector<676x128xi1>
    %broadcast_in_dim3A_78 = vector.broadcast %jit3A_75 : f32 to vector<676x128xf32>
    %select_n3A_79 = arith.select %broadcast_in_dim3A_77, %exp3A, %broadcast_in_dim3A_78 : vector<676x128xi1>, vector<676x128xf32>
    %reduce_sum3A = arith.constant dense<0.000000e+00> : vector<128xf32>
    %reduce_sum3A_80 = vector.multi_reduction <add>, %select_n3A_79, %reduce_sum3A [0] : vector<676x128xf32> to vector<128xf32>
    %broadcast_in_dim3A_81 = vector.shape_cast %reduce_sum3A_80 : vector<128xf32> to vector<1x128xf32>
    %div3A_82 = vector.broadcast %broadcast_in_dim3A_81 : vector<1x128xf32> to vector<676x128xf32>
    %div3A_83 = arith.divf %select_n3A_79, %div3A_82 : vector<676x128xf32>
    %mul3A_84 = arith.mulf %div3A_83, %reshape3A : vector<676x128xf32>
    %reduce_sum3A_85 = arith.constant dense<0.000000e+00> : vector<128xf32>
    %reduce_sum3A_86 = vector.multi_reduction <add>, %mul3A_84, %reduce_sum3A_85 [0] : vector<676x128xf32> to vector<128xf32>
    %broadcast_in_dim3A_87 = vector.shape_cast %reduce_sum3A_86 : vector<128xf32> to vector<1x128xf32>
    %get3A_88 = arith.constant 1 : index
    %get3A_89 = arith.constant 0 : index
    %get3A_90 = arith.constant 0 : index
    %get3A_91 = vector.load %arg1[%get3A_88, %get3A_89, %get3A_90] : memref<16x26x128xf32, #tpu.memory_space<vmem>>, vector<1x26x128xf32>
    %get3A_92 = vector.shape_cast %get3A_91 : vector<1x26x128xf32> to vector<26x128xf32>
    %broadcast_in_dim3A_93 = vector.shape_cast %get3A_92 : vector<26x128xf32> to vector<26x1x128xf32>
    %broadcast_in_dim3A_94 = vector.shape_cast %get3A_92 : vector<26x128xf32> to vector<1x26x128xf32>
    %mul3A_95 = vector.broadcast %broadcast_in_dim3A_93 : vector<26x1x128xf32> to vector<26x26x128xf32>
    %mul3A_96 = vector.broadcast %broadcast_in_dim3A_94 : vector<1x26x128xf32> to vector<26x26x128xf32>
    %mul3A_97 = arith.mulf %mul3A_95, %mul3A_96 : vector<26x26x128xf32>
    %reshape3A_98 = vector.shape_cast %mul3A_97 : vector<26x26x128xf32> to vector<676x128xf32>
    %get3A_99 = arith.constant 0 : index
    %get3A_100 = arith.constant 0 : index
    %get3A_101 = vector.load %arg3[%get3A_99, %get3A_100] : memref<128x128xf32, #tpu.memory_space<vmem>>, vector<128x128xf32>
    %dot_general3A_102 = arith.constant dense<0.000000e+00> : vector<676x128xf32>
    %dot_general3A_103 = tpu.matmul %reshape3A_98, %get3A_101, %dot_general3A_102 {dimension_numbers = #tpu.dot_dimension_numbers<[1], [0], [0], [1], [0, 0, 1, 1], [], []>, transpose_lhs_hint = false} : vector<676x128xf32>, vector<128x128xf32>, vector<676x128xf32> -> vector<676x128xf32>
    %add3A_104 = vector.broadcast %get3A_44 : vector<1x128xf32> to vector<676x128xf32>
    %add3A_105 = arith.addf %dot_general3A_103, %add3A_104 : vector<676x128xf32>
    %max3A_106 = arith.constant 0.000000e+00 : f32
    %max3A_107 = vector.broadcast %max3A_106 : f32 to vector<676x128xf32>
    %max3A_108 = arith.maximumf %add3A_105, %max3A_107 : vector<676x128xf32>
    %get3A_109 = arith.constant 0 : index
    %get3A_110 = arith.constant 0 : index
    %get3A_111 = vector.load %arg4[%get3A_109, %get3A_110] : memref<128x128xf32, #tpu.memory_space<vmem>>, vector<128x128xf32>
    %dot_general3A_112 = arith.constant dense<0.000000e+00> : vector<676x128xf32>
    %dot_general3A_113 = tpu.matmul %max3A_108, %get3A_111, %dot_general3A_112 {dimension_numbers = #tpu.dot_dimension_numbers<[1], [0], [0], [1], [0, 0, 1, 1], [], []>, transpose_lhs_hint = false} : vector<676x128xf32>, vector<128x128xf32>, vector<676x128xf32> -> vector<676x128xf32>
    %jit3A_114 = arith.constant -1.000000e+30 : f32
    %broadcast_in_dim3A_115 = vector.shape_cast %lt3A_42 : vector<676x1xi1> to vector<676x1xi1>
    %broadcast_in_dim3A_116 = vector.broadcast %broadcast_in_dim3A_115 : vector<676x1xi1> to vector<676x128xi1>
    %broadcast_in_dim3A_117 = vector.broadcast %jit3A_114 : f32 to vector<676x128xf32>
    %select_n3A_118 = arith.select %broadcast_in_dim3A_116, %dot_general3A_113, %broadcast_in_dim3A_117 : vector<676x128xi1>, vector<676x128xf32>
    %reduce_max3A_119 = arith.constant dense<0xFF800000> : vector<128xf32>
    %reduce_max3A_120 = vector.multi_reduction <maximumf>, %select_n3A_118, %reduce_max3A_119 [0] : vector<676x128xf32> to vector<128xf32>
    %broadcast_in_dim3A_121 = vector.shape_cast %reduce_max3A_120 : vector<128xf32> to vector<1x128xf32>
    %sub3A_122 = vector.broadcast %broadcast_in_dim3A_121 : vector<1x128xf32> to vector<676x128xf32>
    %sub3A_123 = arith.subf %select_n3A_118, %sub3A_122 : vector<676x128xf32>
    %exp3A_124 = math.exp %sub3A_123 : vector<676x128xf32>
    %jit3A_125 = arith.constant 0.000000e+00 : f32
    %broadcast_in_dim3A_126 = vector.shape_cast %lt3A_42 : vector<676x1xi1> to vector<676x1xi1>
    %broadcast_in_dim3A_127 = vector.broadcast %broadcast_in_dim3A_126 : vector<676x1xi1> to vector<676x128xi1>
    %broadcast_in_dim3A_128 = vector.broadcast %jit3A_125 : f32 to vector<676x128xf32>
    %select_n3A_129 = arith.select %broadcast_in_dim3A_127, %exp3A_124, %broadcast_in_dim3A_128 : vector<676x128xi1>, vector<676x128xf32>
    %reduce_sum3A_130 = arith.constant dense<0.000000e+00> : vector<128xf32>
    %reduce_sum3A_131 = vector.multi_reduction <add>, %select_n3A_129, %reduce_sum3A_130 [0] : vector<676x128xf32> to vector<128xf32>
    %broadcast_in_dim3A_132 = vector.shape_cast %reduce_sum3A_131 : vector<128xf32> to vector<1x128xf32>
    %div3A_133 = vector.broadcast %broadcast_in_dim3A_132 : vector<1x128xf32> to vector<676x128xf32>
    %div3A_134 = arith.divf %select_n3A_129, %div3A_133 : vector<676x128xf32>
    %mul3A_135 = arith.mulf %div3A_134, %reshape3A_98 : vector<676x128xf32>
    %reduce_sum3A_136 = arith.constant dense<0.000000e+00> : vector<128xf32>
    %reduce_sum3A_137 = vector.multi_reduction <add>, %mul3A_135, %reduce_sum3A_136 [0] : vector<676x128xf32> to vector<128xf32>
    %broadcast_in_dim3A_138 = vector.shape_cast %reduce_sum3A_137 : vector<128xf32> to vector<1x128xf32>
    %get3A_139 = arith.constant 2 : index
    %get3A_140 = arith.constant 0 : index
    %get3A_141 = arith.constant 0 : index
    %get3A_142 = vector.load %arg1[%get3A_139, %get3A_140, %get3A_141] : memref<16x26x128xf32, #tpu.memory_space<vmem>>, vector<1x26x128xf32>
    %get3A_143 = vector.shape_cast %get3A_142 : vector<1x26x128xf32> to vector<26x128xf32>
    %broadcast_in_dim3A_144 = vector.shape_cast %get3A_143 : vector<26x128xf32> to vector<26x1x128xf32>
    %broadcast_in_dim3A_145 = vector.shape_cast %get3A_143 : vector<26x128xf32> to vector<1x26x128xf32>
    %mul3A_146 = vector.broadcast %broadcast_in_dim3A_144 : vector<26x1x128xf32> to vector<26x26x128xf32>
    %mul3A_147 = vector.broadcast %broadcast_in_dim3A_145 : vector<1x26x128xf32> to vector<26x26x128xf32>
    %mul3A_148 = arith.mulf %mul3A_146, %mul3A_147 : vector<26x26x128xf32>
    %reshape3A_149 = vector.shape_cast %mul3A_148 : vector<26x26x128xf32> to vector<676x128xf32>
    %get3A_150 = arith.constant 0 : index
    %get3A_151 = arith.constant 0 : index
    %get3A_152 = vector.load %arg3[%get3A_150, %get3A_151] : memref<128x128xf32, #tpu.memory_space<vmem>>, vector<128x128xf32>
    %dot_general3A_153 = arith.constant dense<0.000000e+00> : vector<676x128xf32>
    %dot_general3A_154 = tpu.matmul %reshape3A_149, %get3A_152, %dot_general3A_153 {dimension_numbers = #tpu.dot_dimension_numbers<[1], [0], [0], [1], [0, 0, 1, 1], [], []>, transpose_lhs_hint = false} : vector<676x128xf32>, vector<128x128xf32>, vector<676x128xf32> -> vector<676x128xf32>
    %add3A_155 = vector.broadcast %get3A_44 : vector<1x128xf32> to vector<676x128xf32>
    %add3A_156 = arith.addf %dot_general3A_154, %add3A_155 : vector<676x128xf32>
    %max3A_157 = arith.constant 0.000000e+00 : f32
    %max3A_158 = vector.broadcast %max3A_157 : f32 to vector<676x128xf32>
    %max3A_159 = arith.maximumf %add3A_156, %max3A_158 : vector<676x128xf32>
    %get3A_160 = arith.constant 0 : index
    %get3A_161 = arith.constant 0 : index
    %get3A_162 = vector.load %arg4[%get3A_160, %get3A_161] : memref<128x128xf32, #tpu.memory_space<vmem>>, vector<128x128xf32>
    %dot_general3A_163 = arith.constant dense<0.000000e+00> : vector<676x128xf32>
    %dot_general3A_164 = tpu.matmul %max3A_159, %get3A_162, %dot_general3A_163 {dimension_numbers = #tpu.dot_dimension_numbers<[1], [0], [0], [1], [0, 0, 1, 1], [], []>, transpose_lhs_hint = false} : vector<676x128xf32>, vector<128x128xf32>, vector<676x128xf32> -> vector<676x128xf32>
    %jit3A_165 = arith.constant -1.000000e+30 : f32
    %broadcast_in_dim3A_166 = vector.shape_cast %lt3A_42 : vector<676x1xi1> to vector<676x1xi1>
    %broadcast_in_dim3A_167 = vector.broadcast %broadcast_in_dim3A_166 : vector<676x1xi1> to vector<676x128xi1>
    %broadcast_in_dim3A_168 = vector.broadcast %jit3A_165 : f32 to vector<676x128xf32>
    %select_n3A_169 = arith.select %broadcast_in_dim3A_167, %dot_general3A_164, %broadcast_in_dim3A_168 : vector<676x128xi1>, vector<676x128xf32>
    %reduce_max3A_170 = arith.constant dense<0xFF800000> : vector<128xf32>
    %reduce_max3A_171 = vector.multi_reduction <maximumf>, %select_n3A_169, %reduce_max3A_170 [0] : vector<676x128xf32> to vector<128xf32>
    %broadcast_in_dim3A_172 = vector.shape_cast %reduce_max3A_171 : vector<128xf32> to vector<1x128xf32>
    %sub3A_173 = vector.broadcast %broadcast_in_dim3A_172 : vector<1x128xf32> to vector<676x128xf32>
    %sub3A_174 = arith.subf %select_n3A_169, %sub3A_173 : vector<676x128xf32>
    %exp3A_175 = math.exp %sub3A_174 : vector<676x128xf32>
    %jit3A_176 = arith.constant 0.000000e+00 : f32
    %broadcast_in_dim3A_177 = vector.shape_cast %lt3A_42 : vector<676x1xi1> to vector<676x1xi1>
    %broadcast_in_dim3A_178 = vector.broadcast %broadcast_in_dim3A_177 : vector<676x1xi1> to vector<676x128xi1>
    %broadcast_in_dim3A_179 = vector.broadcast %jit3A_176 : f32 to vector<676x128xf32>
    %select_n3A_180 = arith.select %broadcast_in_dim3A_178, %exp3A_175, %broadcast_in_dim3A_179 : vector<676x128xi1>, vector<676x128xf32>
    %reduce_sum3A_181 = arith.constant dense<0.000000e+00> : vector<128xf32>
    %reduce_sum3A_182 = vector.multi_reduction <add>, %select_n3A_180, %reduce_sum3A_181 [0] : vector<676x128xf32> to vector<128xf32>
    %broadcast_in_dim3A_183 = vector.shape_cast %reduce_sum3A_182 : vector<128xf32> to vector<1x128xf32>
    %div3A_184 = vector.broadcast %broadcast_in_dim3A_183 : vector<1x128xf32> to vector<676x128xf32>
    %div3A_185 = arith.divf %select_n3A_180, %div3A_184 : vector<676x128xf32>
    %mul3A_186 = arith.mulf %div3A_185, %reshape3A_149 : vector<676x128xf32>
    %reduce_sum3A_187 = arith.constant dense<0.000000e+00> : vector<128xf32>
    %reduce_sum3A_188 = vector.multi_reduction <add>, %mul3A_186, %reduce_sum3A_187 [0] : vector<676x128xf32> to vector<128xf32>
    %broadcast_in_dim3A_189 = vector.shape_cast %reduce_sum3A_188 : vector<128xf32> to vector<1x128xf32>
    %get3A_190 = arith.constant 3 : index
    %get3A_191 = arith.constant 0 : index
    %get3A_192 = arith.constant 0 : index
    %get3A_193 = vector.load %arg1[%get3A_190, %get3A_191, %get3A_192] : memref<16x26x128xf32, #tpu.memory_space<vmem>>, vector<1x26x128xf32>
    %get3A_194 = vector.shape_cast %get3A_193 : vector<1x26x128xf32> to vector<26x128xf32>
    %broadcast_in_dim3A_195 = vector.shape_cast %get3A_194 : vector<26x128xf32> to vector<26x1x128xf32>
    %broadcast_in_dim3A_196 = vector.shape_cast %get3A_194 : vector<26x128xf32> to vector<1x26x128xf32>
    %mul3A_197 = vector.broadcast %broadcast_in_dim3A_195 : vector<26x1x128xf32> to vector<26x26x128xf32>
    %mul3A_198 = vector.broadcast %broadcast_in_dim3A_196 : vector<1x26x128xf32> to vector<26x26x128xf32>
    %mul3A_199 = arith.mulf %mul3A_197, %mul3A_198 : vector<26x26x128xf32>
    %reshape3A_200 = vector.shape_cast %mul3A_199 : vector<26x26x128xf32> to vector<676x128xf32>
    %get3A_201 = arith.constant 0 : index
    %get3A_202 = arith.constant 0 : index
    %get3A_203 = vector.load %arg3[%get3A_201, %get3A_202] : memref<128x128xf32, #tpu.memory_space<vmem>>, vector<128x128xf32>
    %dot_general3A_204 = arith.constant dense<0.000000e+00> : vector<676x128xf32>
    %dot_general3A_205 = tpu.matmul %reshape3A_200, %get3A_203, %dot_general3A_204 {dimension_numbers = #tpu.dot_dimension_numbers<[1], [0], [0], [1], [0, 0, 1, 1], [], []>, transpose_lhs_hint = false} : vector<676x128xf32>, vector<128x128xf32>, vector<676x128xf32> -> vector<676x128xf32>
    %add3A_206 = vector.broadcast %get3A_44 : vector<1x128xf32> to vector<676x128xf32>
    %add3A_207 = arith.addf %dot_general3A_205, %add3A_206 : vector<676x128xf32>
    %max3A_208 = arith.constant 0.000000e+00 : f32
    %max3A_209 = vector.broadcast %max3A_208 : f32 to vector<676x128xf32>
    %max3A_210 = arith.maximumf %add3A_207, %max3A_209 : vector<676x128xf32>
    %get3A_211 = arith.constant 0 : index
    %get3A_212 = arith.constant 0 : index
    %get3A_213 = vector.load %arg4[%get3A_211, %get3A_212] : memref<128x128xf32, #tpu.memory_space<vmem>>, vector<128x128xf32>
    %dot_general3A_214 = arith.constant dense<0.000000e+00> : vector<676x128xf32>
    %dot_general3A_215 = tpu.matmul %max3A_210, %get3A_213, %dot_general3A_214 {dimension_numbers = #tpu.dot_dimension_numbers<[1], [0], [0], [1], [0, 0, 1, 1], [], []>, transpose_lhs_hint = false} : vector<676x128xf32>, vector<128x128xf32>, vector<676x128xf32> -> vector<676x128xf32>
    %jit3A_216 = arith.constant -1.000000e+30 : f32
    %broadcast_in_dim3A_217 = vector.shape_cast %lt3A_42 : vector<676x1xi1> to vector<676x1xi1>
    %broadcast_in_dim3A_218 = vector.broadcast %broadcast_in_dim3A_217 : vector<676x1xi1> to vector<676x128xi1>
    %broadcast_in_dim3A_219 = vector.broadcast %jit3A_216 : f32 to vector<676x128xf32>
    %select_n3A_220 = arith.select %broadcast_in_dim3A_218, %dot_general3A_215, %broadcast_in_dim3A_219 : vector<676x128xi1>, vector<676x128xf32>
    %reduce_max3A_221 = arith.constant dense<0xFF800000> : vector<128xf32>
    %reduce_max3A_222 = vector.multi_reduction <maximumf>, %select_n3A_220, %reduce_max3A_221 [0] : vector<676x128xf32> to vector<128xf32>
    %broadcast_in_dim3A_223 = vector.shape_cast %reduce_max3A_222 : vector<128xf32> to vector<1x128xf32>
    %sub3A_224 = vector.broadcast %broadcast_in_dim3A_223 : vector<1x128xf32> to vector<676x128xf32>
    %sub3A_225 = arith.subf %select_n3A_220, %sub3A_224 : vector<676x128xf32>
    %exp3A_226 = math.exp %sub3A_225 : vector<676x128xf32>
    %jit3A_227 = arith.constant 0.000000e+00 : f32
    %broadcast_in_dim3A_228 = vector.shape_cast %lt3A_42 : vector<676x1xi1> to vector<676x1xi1>
    %broadcast_in_dim3A_229 = vector.broadcast %broadcast_in_dim3A_228 : vector<676x1xi1> to vector<676x128xi1>
    %broadcast_in_dim3A_230 = vector.broadcast %jit3A_227 : f32 to vector<676x128xf32>
    %select_n3A_231 = arith.select %broadcast_in_dim3A_229, %exp3A_226, %broadcast_in_dim3A_230 : vector<676x128xi1>, vector<676x128xf32>
    %reduce_sum3A_232 = arith.constant dense<0.000000e+00> : vector<128xf32>
    %reduce_sum3A_233 = vector.multi_reduction <add>, %select_n3A_231, %reduce_sum3A_232 [0] : vector<676x128xf32> to vector<128xf32>
    %broadcast_in_dim3A_234 = vector.shape_cast %reduce_sum3A_233 : vector<128xf32> to vector<1x128xf32>
    %div3A_235 = vector.broadcast %broadcast_in_dim3A_234 : vector<1x128xf32> to vector<676x128xf32>
    %div3A_236 = arith.divf %select_n3A_231, %div3A_235 : vector<676x128xf32>
    %mul3A_237 = arith.mulf %div3A_236, %reshape3A_200 : vector<676x128xf32>
    %reduce_sum3A_238 = arith.constant dense<0.000000e+00> : vector<128xf32>
    %reduce_sum3A_239 = vector.multi_reduction <add>, %mul3A_237, %reduce_sum3A_238 [0] : vector<676x128xf32> to vector<128xf32>
    %broadcast_in_dim3A_240 = vector.shape_cast %reduce_sum3A_239 : vector<128xf32> to vector<1x128xf32>
    %get3A_241 = arith.constant 4 : index
    %get3A_242 = arith.constant 0 : index
    %get3A_243 = arith.constant 0 : index
    %get3A_244 = vector.load %arg1[%get3A_241, %get3A_242, %get3A_243] : memref<16x26x128xf32, #tpu.memory_space<vmem>>, vector<1x26x128xf32>
    %get3A_245 = vector.shape_cast %get3A_244 : vector<1x26x128xf32> to vector<26x128xf32>
    %broadcast_in_dim3A_246 = vector.shape_cast %get3A_245 : vector<26x128xf32> to vector<26x1x128xf32>
    %broadcast_in_dim3A_247 = vector.shape_cast %get3A_245 : vector<26x128xf32> to vector<1x26x128xf32>
    %mul3A_248 = vector.broadcast %broadcast_in_dim3A_246 : vector<26x1x128xf32> to vector<26x26x128xf32>
    %mul3A_249 = vector.broadcast %broadcast_in_dim3A_247 : vector<1x26x128xf32> to vector<26x26x128xf32>
    %mul3A_250 = arith.mulf %mul3A_248, %mul3A_249 : vector<26x26x128xf32>
    %reshape3A_251 = vector.shape_cast %mul3A_250 : vector<26x26x128xf32> to vector<676x128xf32>
    %get3A_252 = arith.constant 0 : index
    %get3A_253 = arith.constant 0 : index
    %get3A_254 = vector.load %arg3[%get3A_252, %get3A_253] : memref<128x128xf32, #tpu.memory_space<vmem>>, vector<128x128xf32>
    %dot_general3A_255 = arith.constant dense<0.000000e+00> : vector<676x128xf32>
    %dot_general3A_256 = tpu.matmul %reshape3A_251, %get3A_254, %dot_general3A_255 {dimension_numbers = #tpu.dot_dimension_numbers<[1], [0], [0], [1], [0, 0, 1, 1], [], []>, transpose_lhs_hint = false} : vector<676x128xf32>, vector<128x128xf32>, vector<676x128xf32> -> vector<676x128xf32>
    %add3A_257 = vector.broadcast %get3A_44 : vector<1x128xf32> to vector<676x128xf32>
    %add3A_258 = arith.addf %dot_general3A_256, %add3A_257 : vector<676x128xf32>
    %max3A_259 = arith.constant 0.000000e+00 : f32
    %max3A_260 = vector.broadcast %max3A_259 : f32 to vector<676x128xf32>
    %max3A_261 = arith.maximumf %add3A_258, %max3A_260 : vector<676x128xf32>
    %get3A_262 = arith.constant 0 : index
    %get3A_263 = arith.constant 0 : index
    %get3A_264 = vector.load %arg4[%get3A_262, %get3A_263] : memref<128x128xf32, #tpu.memory_space<vmem>>, vector<128x128xf32>
    %dot_general3A_265 = arith.constant dense<0.000000e+00> : vector<676x128xf32>
    %dot_general3A_266 = tpu.matmul %max3A_261, %get3A_264, %dot_general3A_265 {dimension_numbers = #tpu.dot_dimension_numbers<[1], [0], [0], [1], [0, 0, 1, 1], [], []>, transpose_lhs_hint = false} : vector<676x128xf32>, vector<128x128xf32>, vector<676x128xf32> -> vector<676x128xf32>
    %jit3A_267 = arith.constant -1.000000e+30 : f32
    %broadcast_in_dim3A_268 = vector.shape_cast %lt3A_42 : vector<676x1xi1> to vector<676x1xi1>
    %broadcast_in_dim3A_269 = vector.broadcast %broadcast_in_dim3A_268 : vector<676x1xi1> to vector<676x128xi1>
    %broadcast_in_dim3A_270 = vector.broadcast %jit3A_267 : f32 to vector<676x128xf32>
    %select_n3A_271 = arith.select %broadcast_in_dim3A_269, %dot_general3A_266, %broadcast_in_dim3A_270 : vector<676x128xi1>, vector<676x128xf32>
    %reduce_max3A_272 = arith.constant dense<0xFF800000> : vector<128xf32>
    %reduce_max3A_273 = vector.multi_reduction <maximumf>, %select_n3A_271, %reduce_max3A_272 [0] : vector<676x128xf32> to vector<128xf32>
    %broadcast_in_dim3A_274 = vector.shape_cast %reduce_max3A_273 : vector<128xf32> to vector<1x128xf32>
    %sub3A_275 = vector.broadcast %broadcast_in_dim3A_274 : vector<1x128xf32> to vector<676x128xf32>
    %sub3A_276 = arith.subf %select_n3A_271, %sub3A_275 : vector<676x128xf32>
    %exp3A_277 = math.exp %sub3A_276 : vector<676x128xf32>
    %jit3A_278 = arith.constant 0.000000e+00 : f32
    %broadcast_in_dim3A_279 = vector.shape_cast %lt3A_42 : vector<676x1xi1> to vector<676x1xi1>
    %broadcast_in_dim3A_280 = vector.broadcast %broadcast_in_dim3A_279 : vector<676x1xi1> to vector<676x128xi1>
    %broadcast_in_dim3A_281 = vector.broadcast %jit3A_278 : f32 to vector<676x128xf32>
    %select_n3A_282 = arith.select %broadcast_in_dim3A_280, %exp3A_277, %broadcast_in_dim3A_281 : vector<676x128xi1>, vector<676x128xf32>
    %reduce_sum3A_283 = arith.constant dense<0.000000e+00> : vector<128xf32>
    %reduce_sum3A_284 = vector.multi_reduction <add>, %select_n3A_282, %reduce_sum3A_283 [0] : vector<676x128xf32> to vector<128xf32>
    %broadcast_in_dim3A_285 = vector.shape_cast %reduce_sum3A_284 : vector<128xf32> to vector<1x128xf32>
    %div3A_286 = vector.broadcast %broadcast_in_dim3A_285 : vector<1x128xf32> to vector<676x128xf32>
    %div3A_287 = arith.divf %select_n3A_282, %div3A_286 : vector<676x128xf32>
    %mul3A_288 = arith.mulf %div3A_287, %reshape3A_251 : vector<676x128xf32>
    %reduce_sum3A_289 = arith.constant dense<0.000000e+00> : vector<128xf32>
    %reduce_sum3A_290 = vector.multi_reduction <add>, %mul3A_288, %reduce_sum3A_289 [0] : vector<676x128xf32> to vector<128xf32>
    %broadcast_in_dim3A_291 = vector.shape_cast %reduce_sum3A_290 : vector<128xf32> to vector<1x128xf32>
    %get3A_292 = arith.constant 5 : index
    %get3A_293 = arith.constant 0 : index
    %get3A_294 = arith.constant 0 : index
    %get3A_295 = vector.load %arg1[%get3A_292, %get3A_293, %get3A_294] : memref<16x26x128xf32, #tpu.memory_space<vmem>>, vector<1x26x128xf32>
    %get3A_296 = vector.shape_cast %get3A_295 : vector<1x26x128xf32> to vector<26x128xf32>
    %broadcast_in_dim3A_297 = vector.shape_cast %get3A_296 : vector<26x128xf32> to vector<26x1x128xf32>
    %broadcast_in_dim3A_298 = vector.shape_cast %get3A_296 : vector<26x128xf32> to vector<1x26x128xf32>
    %mul3A_299 = vector.broadcast %broadcast_in_dim3A_297 : vector<26x1x128xf32> to vector<26x26x128xf32>
    %mul3A_300 = vector.broadcast %broadcast_in_dim3A_298 : vector<1x26x128xf32> to vector<26x26x128xf32>
    %mul3A_301 = arith.mulf %mul3A_299, %mul3A_300 : vector<26x26x128xf32>
    %reshape3A_302 = vector.shape_cast %mul3A_301 : vector<26x26x128xf32> to vector<676x128xf32>
    %get3A_303 = arith.constant 0 : index
    %get3A_304 = arith.constant 0 : index
    %get3A_305 = vector.load %arg3[%get3A_303, %get3A_304] : memref<128x128xf32, #tpu.memory_space<vmem>>, vector<128x128xf32>
    %dot_general3A_306 = arith.constant dense<0.000000e+00> : vector<676x128xf32>
    %dot_general3A_307 = tpu.matmul %reshape3A_302, %get3A_305, %dot_general3A_306 {dimension_numbers = #tpu.dot_dimension_numbers<[1], [0], [0], [1], [0, 0, 1, 1], [], []>, transpose_lhs_hint = false} : vector<676x128xf32>, vector<128x128xf32>, vector<676x128xf32> -> vector<676x128xf32>
    %add3A_308 = vector.broadcast %get3A_44 : vector<1x128xf32> to vector<676x128xf32>
    %add3A_309 = arith.addf %dot_general3A_307, %add3A_308 : vector<676x128xf32>
    %max3A_310 = arith.constant 0.000000e+00 : f32
    %max3A_311 = vector.broadcast %max3A_310 : f32 to vector<676x128xf32>
    %max3A_312 = arith.maximumf %add3A_309, %max3A_311 : vector<676x128xf32>
    %get3A_313 = arith.constant 0 : index
    %get3A_314 = arith.constant 0 : index
    %get3A_315 = vector.load %arg4[%get3A_313, %get3A_314] : memref<128x128xf32, #tpu.memory_space<vmem>>, vector<128x128xf32>
    %dot_general3A_316 = arith.constant dense<0.000000e+00> : vector<676x128xf32>
    %dot_general3A_317 = tpu.matmul %max3A_312, %get3A_315, %dot_general3A_316 {dimension_numbers = #tpu.dot_dimension_numbers<[1], [0], [0], [1], [0, 0, 1, 1], [], []>, transpose_lhs_hint = false} : vector<676x128xf32>, vector<128x128xf32>, vector<676x128xf32> -> vector<676x128xf32>
    %jit3A_318 = arith.constant -1.000000e+30 : f32
    %broadcast_in_dim3A_319 = vector.shape_cast %lt3A_42 : vector<676x1xi1> to vector<676x1xi1>
    %broadcast_in_dim3A_320 = vector.broadcast %broadcast_in_dim3A_319 : vector<676x1xi1> to vector<676x128xi1>
    %broadcast_in_dim3A_321 = vector.broadcast %jit3A_318 : f32 to vector<676x128xf32>
    %select_n3A_322 = arith.select %broadcast_in_dim3A_320, %dot_general3A_317, %broadcast_in_dim3A_321 : vector<676x128xi1>, vector<676x128xf32>
    %reduce_max3A_323 = arith.constant dense<0xFF800000> : vector<128xf32>
    %reduce_max3A_324 = vector.multi_reduction <maximumf>, %select_n3A_322, %reduce_max3A_323 [0] : vector<676x128xf32> to vector<128xf32>
    %broadcast_in_dim3A_325 = vector.shape_cast %reduce_max3A_324 : vector<128xf32> to vector<1x128xf32>
    %sub3A_326 = vector.broadcast %broadcast_in_dim3A_325 : vector<1x128xf32> to vector<676x128xf32>
    %sub3A_327 = arith.subf %select_n3A_322, %sub3A_326 : vector<676x128xf32>
    %exp3A_328 = math.exp %sub3A_327 : vector<676x128xf32>
    %jit3A_329 = arith.constant 0.000000e+00 : f32
    %broadcast_in_dim3A_330 = vector.shape_cast %lt3A_42 : vector<676x1xi1> to vector<676x1xi1>
    %broadcast_in_dim3A_331 = vector.broadcast %broadcast_in_dim3A_330 : vector<676x1xi1> to vector<676x128xi1>
    %broadcast_in_dim3A_332 = vector.broadcast %jit3A_329 : f32 to vector<676x128xf32>
    %select_n3A_333 = arith.select %broadcast_in_dim3A_331, %exp3A_328, %broadcast_in_dim3A_332 : vector<676x128xi1>, vector<676x128xf32>
    %reduce_sum3A_334 = arith.constant dense<0.000000e+00> : vector<128xf32>
    %reduce_sum3A_335 = vector.multi_reduction <add>, %select_n3A_333, %reduce_sum3A_334 [0] : vector<676x128xf32> to vector<128xf32>
    %broadcast_in_dim3A_336 = vector.shape_cast %reduce_sum3A_335 : vector<128xf32> to vector<1x128xf32>
    %div3A_337 = vector.broadcast %broadcast_in_dim3A_336 : vector<1x128xf32> to vector<676x128xf32>
    %div3A_338 = arith.divf %select_n3A_333, %div3A_337 : vector<676x128xf32>
    %mul3A_339 = arith.mulf %div3A_338, %reshape3A_302 : vector<676x128xf32>
    %reduce_sum3A_340 = arith.constant dense<0.000000e+00> : vector<128xf32>
    %reduce_sum3A_341 = vector.multi_reduction <add>, %mul3A_339, %reduce_sum3A_340 [0] : vector<676x128xf32> to vector<128xf32>
    %broadcast_in_dim3A_342 = vector.shape_cast %reduce_sum3A_341 : vector<128xf32> to vector<1x128xf32>
    %get3A_343 = arith.constant 6 : index
    %get3A_344 = arith.constant 0 : index
    %get3A_345 = arith.constant 0 : index
    %get3A_346 = vector.load %arg1[%get3A_343, %get3A_344, %get3A_345] : memref<16x26x128xf32, #tpu.memory_space<vmem>>, vector<1x26x128xf32>
    %get3A_347 = vector.shape_cast %get3A_346 : vector<1x26x128xf32> to vector<26x128xf32>
    %broadcast_in_dim3A_348 = vector.shape_cast %get3A_347 : vector<26x128xf32> to vector<26x1x128xf32>
    %broadcast_in_dim3A_349 = vector.shape_cast %get3A_347 : vector<26x128xf32> to vector<1x26x128xf32>
    %mul3A_350 = vector.broadcast %broadcast_in_dim3A_348 : vector<26x1x128xf32> to vector<26x26x128xf32>
    %mul3A_351 = vector.broadcast %broadcast_in_dim3A_349 : vector<1x26x128xf32> to vector<26x26x128xf32>
    %mul3A_352 = arith.mulf %mul3A_350, %mul3A_351 : vector<26x26x128xf32>
    %reshape3A_353 = vector.shape_cast %mul3A_352 : vector<26x26x128xf32> to vector<676x128xf32>
    %get3A_354 = arith.constant 0 : index
    %get3A_355 = arith.constant 0 : index
    %get3A_356 = vector.load %arg3[%get3A_354, %get3A_355] : memref<128x128xf32, #tpu.memory_space<vmem>>, vector<128x128xf32>
    %dot_general3A_357 = arith.constant dense<0.000000e+00> : vector<676x128xf32>
    %dot_general3A_358 = tpu.matmul %reshape3A_353, %get3A_356, %dot_general3A_357 {dimension_numbers = #tpu.dot_dimension_numbers<[1], [0], [0], [1], [0, 0, 1, 1], [], []>, transpose_lhs_hint = false} : vector<676x128xf32>, vector<128x128xf32>, vector<676x128xf32> -> vector<676x128xf32>
    %add3A_359 = vector.broadcast %get3A_44 : vector<1x128xf32> to vector<676x128xf32>
    %add3A_360 = arith.addf %dot_general3A_358, %add3A_359 : vector<676x128xf32>
    %max3A_361 = arith.constant 0.000000e+00 : f32
    %max3A_362 = vector.broadcast %max3A_361 : f32 to vector<676x128xf32>
    %max3A_363 = arith.maximumf %add3A_360, %max3A_362 : vector<676x128xf32>
    %get3A_364 = arith.constant 0 : index
    %get3A_365 = arith.constant 0 : index
    %get3A_366 = vector.load %arg4[%get3A_364, %get3A_365] : memref<128x128xf32, #tpu.memory_space<vmem>>, vector<128x128xf32>
    %dot_general3A_367 = arith.constant dense<0.000000e+00> : vector<676x128xf32>
    %dot_general3A_368 = tpu.matmul %max3A_363, %get3A_366, %dot_general3A_367 {dimension_numbers = #tpu.dot_dimension_numbers<[1], [0], [0], [1], [0, 0, 1, 1], [], []>, transpose_lhs_hint = false} : vector<676x128xf32>, vector<128x128xf32>, vector<676x128xf32> -> vector<676x128xf32>
    %jit3A_369 = arith.constant -1.000000e+30 : f32
    %broadcast_in_dim3A_370 = vector.shape_cast %lt3A_42 : vector<676x1xi1> to vector<676x1xi1>
    %broadcast_in_dim3A_371 = vector.broadcast %broadcast_in_dim3A_370 : vector<676x1xi1> to vector<676x128xi1>
    %broadcast_in_dim3A_372 = vector.broadcast %jit3A_369 : f32 to vector<676x128xf32>
    %select_n3A_373 = arith.select %broadcast_in_dim3A_371, %dot_general3A_368, %broadcast_in_dim3A_372 : vector<676x128xi1>, vector<676x128xf32>
    %reduce_max3A_374 = arith.constant dense<0xFF800000> : vector<128xf32>
    %reduce_max3A_375 = vector.multi_reduction <maximumf>, %select_n3A_373, %reduce_max3A_374 [0] : vector<676x128xf32> to vector<128xf32>
    %broadcast_in_dim3A_376 = vector.shape_cast %reduce_max3A_375 : vector<128xf32> to vector<1x128xf32>
    %sub3A_377 = vector.broadcast %broadcast_in_dim3A_376 : vector<1x128xf32> to vector<676x128xf32>
    %sub3A_378 = arith.subf %select_n3A_373, %sub3A_377 : vector<676x128xf32>
    %exp3A_379 = math.exp %sub3A_378 : vector<676x128xf32>
    %jit3A_380 = arith.constant 0.000000e+00 : f32
    %broadcast_in_dim3A_381 = vector.shape_cast %lt3A_42 : vector<676x1xi1> to vector<676x1xi1>
    %broadcast_in_dim3A_382 = vector.broadcast %broadcast_in_dim3A_381 : vector<676x1xi1> to vector<676x128xi1>
    %broadcast_in_dim3A_383 = vector.broadcast %jit3A_380 : f32 to vector<676x128xf32>
    %select_n3A_384 = arith.select %broadcast_in_dim3A_382, %exp3A_379, %broadcast_in_dim3A_383 : vector<676x128xi1>, vector<676x128xf32>
    %reduce_sum3A_385 = arith.constant dense<0.000000e+00> : vector<128xf32>
    %reduce_sum3A_386 = vector.multi_reduction <add>, %select_n3A_384, %reduce_sum3A_385 [0] : vector<676x128xf32> to vector<128xf32>
    %broadcast_in_dim3A_387 = vector.shape_cast %reduce_sum3A_386 : vector<128xf32> to vector<1x128xf32>
    %div3A_388 = vector.broadcast %broadcast_in_dim3A_387 : vector<1x128xf32> to vector<676x128xf32>
    %div3A_389 = arith.divf %select_n3A_384, %div3A_388 : vector<676x128xf32>
    %mul3A_390 = arith.mulf %div3A_389, %reshape3A_353 : vector<676x128xf32>
    %reduce_sum3A_391 = arith.constant dense<0.000000e+00> : vector<128xf32>
    %reduce_sum3A_392 = vector.multi_reduction <add>, %mul3A_390, %reduce_sum3A_391 [0] : vector<676x128xf32> to vector<128xf32>
    %broadcast_in_dim3A_393 = vector.shape_cast %reduce_sum3A_392 : vector<128xf32> to vector<1x128xf32>
    %get3A_394 = arith.constant 7 : index
    %get3A_395 = arith.constant 0 : index
    %get3A_396 = arith.constant 0 : index
    %get3A_397 = vector.load %arg1[%get3A_394, %get3A_395, %get3A_396] : memref<16x26x128xf32, #tpu.memory_space<vmem>>, vector<1x26x128xf32>
    %get3A_398 = vector.shape_cast %get3A_397 : vector<1x26x128xf32> to vector<26x128xf32>
    %broadcast_in_dim3A_399 = vector.shape_cast %get3A_398 : vector<26x128xf32> to vector<26x1x128xf32>
    %broadcast_in_dim3A_400 = vector.shape_cast %get3A_398 : vector<26x128xf32> to vector<1x26x128xf32>
    %mul3A_401 = vector.broadcast %broadcast_in_dim3A_399 : vector<26x1x128xf32> to vector<26x26x128xf32>
    %mul3A_402 = vector.broadcast %broadcast_in_dim3A_400 : vector<1x26x128xf32> to vector<26x26x128xf32>
    %mul3A_403 = arith.mulf %mul3A_401, %mul3A_402 : vector<26x26x128xf32>
    %reshape3A_404 = vector.shape_cast %mul3A_403 : vector<26x26x128xf32> to vector<676x128xf32>
    %get3A_405 = arith.constant 0 : index
    %get3A_406 = arith.constant 0 : index
    %get3A_407 = vector.load %arg3[%get3A_405, %get3A_406] : memref<128x128xf32, #tpu.memory_space<vmem>>, vector<128x128xf32>
    %dot_general3A_408 = arith.constant dense<0.000000e+00> : vector<676x128xf32>
    %dot_general3A_409 = tpu.matmul %reshape3A_404, %get3A_407, %dot_general3A_408 {dimension_numbers = #tpu.dot_dimension_numbers<[1], [0], [0], [1], [0, 0, 1, 1], [], []>, transpose_lhs_hint = false} : vector<676x128xf32>, vector<128x128xf32>, vector<676x128xf32> -> vector<676x128xf32>
    %add3A_410 = vector.broadcast %get3A_44 : vector<1x128xf32> to vector<676x128xf32>
    %add3A_411 = arith.addf %dot_general3A_409, %add3A_410 : vector<676x128xf32>
    %max3A_412 = arith.constant 0.000000e+00 : f32
    %max3A_413 = vector.broadcast %max3A_412 : f32 to vector<676x128xf32>
    %max3A_414 = arith.maximumf %add3A_411, %max3A_413 : vector<676x128xf32>
    %get3A_415 = arith.constant 0 : index
    %get3A_416 = arith.constant 0 : index
    %get3A_417 = vector.load %arg4[%get3A_415, %get3A_416] : memref<128x128xf32, #tpu.memory_space<vmem>>, vector<128x128xf32>
    %dot_general3A_418 = arith.constant dense<0.000000e+00> : vector<676x128xf32>
    %dot_general3A_419 = tpu.matmul %max3A_414, %get3A_417, %dot_general3A_418 {dimension_numbers = #tpu.dot_dimension_numbers<[1], [0], [0], [1], [0, 0, 1, 1], [], []>, transpose_lhs_hint = false} : vector<676x128xf32>, vector<128x128xf32>, vector<676x128xf32> -> vector<676x128xf32>
    %jit3A_420 = arith.constant -1.000000e+30 : f32
    %broadcast_in_dim3A_421 = vector.shape_cast %lt3A_42 : vector<676x1xi1> to vector<676x1xi1>
    %broadcast_in_dim3A_422 = vector.broadcast %broadcast_in_dim3A_421 : vector<676x1xi1> to vector<676x128xi1>
    %broadcast_in_dim3A_423 = vector.broadcast %jit3A_420 : f32 to vector<676x128xf32>
    %select_n3A_424 = arith.select %broadcast_in_dim3A_422, %dot_general3A_419, %broadcast_in_dim3A_423 : vector<676x128xi1>, vector<676x128xf32>
    %reduce_max3A_425 = arith.constant dense<0xFF800000> : vector<128xf32>
    %reduce_max3A_426 = vector.multi_reduction <maximumf>, %select_n3A_424, %reduce_max3A_425 [0] : vector<676x128xf32> to vector<128xf32>
    %broadcast_in_dim3A_427 = vector.shape_cast %reduce_max3A_426 : vector<128xf32> to vector<1x128xf32>
    %sub3A_428 = vector.broadcast %broadcast_in_dim3A_427 : vector<1x128xf32> to vector<676x128xf32>
    %sub3A_429 = arith.subf %select_n3A_424, %sub3A_428 : vector<676x128xf32>
    %exp3A_430 = math.exp %sub3A_429 : vector<676x128xf32>
    %jit3A_431 = arith.constant 0.000000e+00 : f32
    %broadcast_in_dim3A_432 = vector.shape_cast %lt3A_42 : vector<676x1xi1> to vector<676x1xi1>
    %broadcast_in_dim3A_433 = vector.broadcast %broadcast_in_dim3A_432 : vector<676x1xi1> to vector<676x128xi1>
    %broadcast_in_dim3A_434 = vector.broadcast %jit3A_431 : f32 to vector<676x128xf32>
    %select_n3A_435 = arith.select %broadcast_in_dim3A_433, %exp3A_430, %broadcast_in_dim3A_434 : vector<676x128xi1>, vector<676x128xf32>
    %reduce_sum3A_436 = arith.constant dense<0.000000e+00> : vector<128xf32>
    %reduce_sum3A_437 = vector.multi_reduction <add>, %select_n3A_435, %reduce_sum3A_436 [0] : vector<676x128xf32> to vector<128xf32>
    %broadcast_in_dim3A_438 = vector.shape_cast %reduce_sum3A_437 : vector<128xf32> to vector<1x128xf32>
    %div3A_439 = vector.broadcast %broadcast_in_dim3A_438 : vector<1x128xf32> to vector<676x128xf32>
    %div3A_440 = arith.divf %select_n3A_435, %div3A_439 : vector<676x128xf32>
    %mul3A_441 = arith.mulf %div3A_440, %reshape3A_404 : vector<676x128xf32>
    %reduce_sum3A_442 = arith.constant dense<0.000000e+00> : vector<128xf32>
    %reduce_sum3A_443 = vector.multi_reduction <add>, %mul3A_441, %reduce_sum3A_442 [0] : vector<676x128xf32> to vector<128xf32>
    %broadcast_in_dim3A_444 = vector.shape_cast %reduce_sum3A_443 : vector<128xf32> to vector<1x128xf32>
    %get3A_445 = arith.constant 8 : index
    %get3A_446 = arith.constant 0 : index
    %get3A_447 = arith.constant 0 : index
    %get3A_448 = vector.load %arg1[%get3A_445, %get3A_446, %get3A_447] : memref<16x26x128xf32, #tpu.memory_space<vmem>>, vector<1x26x128xf32>
    %get3A_449 = vector.shape_cast %get3A_448 : vector<1x26x128xf32> to vector<26x128xf32>
    %broadcast_in_dim3A_450 = vector.shape_cast %get3A_449 : vector<26x128xf32> to vector<26x1x128xf32>
    %broadcast_in_dim3A_451 = vector.shape_cast %get3A_449 : vector<26x128xf32> to vector<1x26x128xf32>
    %mul3A_452 = vector.broadcast %broadcast_in_dim3A_450 : vector<26x1x128xf32> to vector<26x26x128xf32>
    %mul3A_453 = vector.broadcast %broadcast_in_dim3A_451 : vector<1x26x128xf32> to vector<26x26x128xf32>
    %mul3A_454 = arith.mulf %mul3A_452, %mul3A_453 : vector<26x26x128xf32>
    %reshape3A_455 = vector.shape_cast %mul3A_454 : vector<26x26x128xf32> to vector<676x128xf32>
    %get3A_456 = arith.constant 0 : index
    %get3A_457 = arith.constant 0 : index
    %get3A_458 = vector.load %arg3[%get3A_456, %get3A_457] : memref<128x128xf32, #tpu.memory_space<vmem>>, vector<128x128xf32>
    %dot_general3A_459 = arith.constant dense<0.000000e+00> : vector<676x128xf32>
    %dot_general3A_460 = tpu.matmul %reshape3A_455, %get3A_458, %dot_general3A_459 {dimension_numbers = #tpu.dot_dimension_numbers<[1], [0], [0], [1], [0, 0, 1, 1], [], []>, transpose_lhs_hint = false} : vector<676x128xf32>, vector<128x128xf32>, vector<676x128xf32> -> vector<676x128xf32>
    %add3A_461 = vector.broadcast %get3A_44 : vector<1x128xf32> to vector<676x128xf32>
    %add3A_462 = arith.addf %dot_general3A_460, %add3A_461 : vector<676x128xf32>
    %max3A_463 = arith.constant 0.000000e+00 : f32
    %max3A_464 = vector.broadcast %max3A_463 : f32 to vector<676x128xf32>
    %max3A_465 = arith.maximumf %add3A_462, %max3A_464 : vector<676x128xf32>
    %get3A_466 = arith.constant 0 : index
    %get3A_467 = arith.constant 0 : index
    %get3A_468 = vector.load %arg4[%get3A_466, %get3A_467] : memref<128x128xf32, #tpu.memory_space<vmem>>, vector<128x128xf32>
    %dot_general3A_469 = arith.constant dense<0.000000e+00> : vector<676x128xf32>
    %dot_general3A_470 = tpu.matmul %max3A_465, %get3A_468, %dot_general3A_469 {dimension_numbers = #tpu.dot_dimension_numbers<[1], [0], [0], [1], [0, 0, 1, 1], [], []>, transpose_lhs_hint = false} : vector<676x128xf32>, vector<128x128xf32>, vector<676x128xf32> -> vector<676x128xf32>
    %jit3A_471 = arith.constant -1.000000e+30 : f32
    %broadcast_in_dim3A_472 = vector.shape_cast %lt3A_42 : vector<676x1xi1> to vector<676x1xi1>
    %broadcast_in_dim3A_473 = vector.broadcast %broadcast_in_dim3A_472 : vector<676x1xi1> to vector<676x128xi1>
    %broadcast_in_dim3A_474 = vector.broadcast %jit3A_471 : f32 to vector<676x128xf32>
    %select_n3A_475 = arith.select %broadcast_in_dim3A_473, %dot_general3A_470, %broadcast_in_dim3A_474 : vector<676x128xi1>, vector<676x128xf32>
    %reduce_max3A_476 = arith.constant dense<0xFF800000> : vector<128xf32>
    %reduce_max3A_477 = vector.multi_reduction <maximumf>, %select_n3A_475, %reduce_max3A_476 [0] : vector<676x128xf32> to vector<128xf32>
    %broadcast_in_dim3A_478 = vector.shape_cast %reduce_max3A_477 : vector<128xf32> to vector<1x128xf32>
    %sub3A_479 = vector.broadcast %broadcast_in_dim3A_478 : vector<1x128xf32> to vector<676x128xf32>
    %sub3A_480 = arith.subf %select_n3A_475, %sub3A_479 : vector<676x128xf32>
    %exp3A_481 = math.exp %sub3A_480 : vector<676x128xf32>
    %jit3A_482 = arith.constant 0.000000e+00 : f32
    %broadcast_in_dim3A_483 = vector.shape_cast %lt3A_42 : vector<676x1xi1> to vector<676x1xi1>
    %broadcast_in_dim3A_484 = vector.broadcast %broadcast_in_dim3A_483 : vector<676x1xi1> to vector<676x128xi1>
    %broadcast_in_dim3A_485 = vector.broadcast %jit3A_482 : f32 to vector<676x128xf32>
    %select_n3A_486 = arith.select %broadcast_in_dim3A_484, %exp3A_481, %broadcast_in_dim3A_485 : vector<676x128xi1>, vector<676x128xf32>
    %reduce_sum3A_487 = arith.constant dense<0.000000e+00> : vector<128xf32>
    %reduce_sum3A_488 = vector.multi_reduction <add>, %select_n3A_486, %reduce_sum3A_487 [0] : vector<676x128xf32> to vector<128xf32>
    %broadcast_in_dim3A_489 = vector.shape_cast %reduce_sum3A_488 : vector<128xf32> to vector<1x128xf32>
    %div3A_490 = vector.broadcast %broadcast_in_dim3A_489 : vector<1x128xf32> to vector<676x128xf32>
    %div3A_491 = arith.divf %select_n3A_486, %div3A_490 : vector<676x128xf32>
    %mul3A_492 = arith.mulf %div3A_491, %reshape3A_455 : vector<676x128xf32>
    %reduce_sum3A_493 = arith.constant dense<0.000000e+00> : vector<128xf32>
    %reduce_sum3A_494 = vector.multi_reduction <add>, %mul3A_492, %reduce_sum3A_493 [0] : vector<676x128xf32> to vector<128xf32>
    %broadcast_in_dim3A_495 = vector.shape_cast %reduce_sum3A_494 : vector<128xf32> to vector<1x128xf32>
    %get3A_496 = arith.constant 9 : index
    %get3A_497 = arith.constant 0 : index
    %get3A_498 = arith.constant 0 : index
    %get3A_499 = vector.load %arg1[%get3A_496, %get3A_497, %get3A_498] : memref<16x26x128xf32, #tpu.memory_space<vmem>>, vector<1x26x128xf32>
    %get3A_500 = vector.shape_cast %get3A_499 : vector<1x26x128xf32> to vector<26x128xf32>
    %broadcast_in_dim3A_501 = vector.shape_cast %get3A_500 : vector<26x128xf32> to vector<26x1x128xf32>
    %broadcast_in_dim3A_502 = vector.shape_cast %get3A_500 : vector<26x128xf32> to vector<1x26x128xf32>
    %mul3A_503 = vector.broadcast %broadcast_in_dim3A_501 : vector<26x1x128xf32> to vector<26x26x128xf32>
    %mul3A_504 = vector.broadcast %broadcast_in_dim3A_502 : vector<1x26x128xf32> to vector<26x26x128xf32>
    %mul3A_505 = arith.mulf %mul3A_503, %mul3A_504 : vector<26x26x128xf32>
    %reshape3A_506 = vector.shape_cast %mul3A_505 : vector<26x26x128xf32> to vector<676x128xf32>
    %get3A_507 = arith.constant 0 : index
    %get3A_508 = arith.constant 0 : index
    %get3A_509 = vector.load %arg3[%get3A_507, %get3A_508] : memref<128x128xf32, #tpu.memory_space<vmem>>, vector<128x128xf32>
    %dot_general3A_510 = arith.constant dense<0.000000e+00> : vector<676x128xf32>
    %dot_general3A_511 = tpu.matmul %reshape3A_506, %get3A_509, %dot_general3A_510 {dimension_numbers = #tpu.dot_dimension_numbers<[1], [0], [0], [1], [0, 0, 1, 1], [], []>, transpose_lhs_hint = false} : vector<676x128xf32>, vector<128x128xf32>, vector<676x128xf32> -> vector<676x128xf32>
    %add3A_512 = vector.broadcast %get3A_44 : vector<1x128xf32> to vector<676x128xf32>
    %add3A_513 = arith.addf %dot_general3A_511, %add3A_512 : vector<676x128xf32>
    %max3A_514 = arith.constant 0.000000e+00 : f32
    %max3A_515 = vector.broadcast %max3A_514 : f32 to vector<676x128xf32>
    %max3A_516 = arith.maximumf %add3A_513, %max3A_515 : vector<676x128xf32>
    %get3A_517 = arith.constant 0 : index
    %get3A_518 = arith.constant 0 : index
    %get3A_519 = vector.load %arg4[%get3A_517, %get3A_518] : memref<128x128xf32, #tpu.memory_space<vmem>>, vector<128x128xf32>
    %dot_general3A_520 = arith.constant dense<0.000000e+00> : vector<676x128xf32>
    %dot_general3A_521 = tpu.matmul %max3A_516, %get3A_519, %dot_general3A_520 {dimension_numbers = #tpu.dot_dimension_numbers<[1], [0], [0], [1], [0, 0, 1, 1], [], []>, transpose_lhs_hint = false} : vector<676x128xf32>, vector<128x128xf32>, vector<676x128xf32> -> vector<676x128xf32>
    %jit3A_522 = arith.constant -1.000000e+30 : f32
    %broadcast_in_dim3A_523 = vector.shape_cast %lt3A_42 : vector<676x1xi1> to vector<676x1xi1>
    %broadcast_in_dim3A_524 = vector.broadcast %broadcast_in_dim3A_523 : vector<676x1xi1> to vector<676x128xi1>
    %broadcast_in_dim3A_525 = vector.broadcast %jit3A_522 : f32 to vector<676x128xf32>
    %select_n3A_526 = arith.select %broadcast_in_dim3A_524, %dot_general3A_521, %broadcast_in_dim3A_525 : vector<676x128xi1>, vector<676x128xf32>
    %reduce_max3A_527 = arith.constant dense<0xFF800000> : vector<128xf32>
    %reduce_max3A_528 = vector.multi_reduction <maximumf>, %select_n3A_526, %reduce_max3A_527 [0] : vector<676x128xf32> to vector<128xf32>
    %broadcast_in_dim3A_529 = vector.shape_cast %reduce_max3A_528 : vector<128xf32> to vector<1x128xf32>
    %sub3A_530 = vector.broadcast %broadcast_in_dim3A_529 : vector<1x128xf32> to vector<676x128xf32>
    %sub3A_531 = arith.subf %select_n3A_526, %sub3A_530 : vector<676x128xf32>
    %exp3A_532 = math.exp %sub3A_531 : vector<676x128xf32>
    %jit3A_533 = arith.constant 0.000000e+00 : f32
    %broadcast_in_dim3A_534 = vector.shape_cast %lt3A_42 : vector<676x1xi1> to vector<676x1xi1>
    %broadcast_in_dim3A_535 = vector.broadcast %broadcast_in_dim3A_534 : vector<676x1xi1> to vector<676x128xi1>
    %broadcast_in_dim3A_536 = vector.broadcast %jit3A_533 : f32 to vector<676x128xf32>
    %select_n3A_537 = arith.select %broadcast_in_dim3A_535, %exp3A_532, %broadcast_in_dim3A_536 : vector<676x128xi1>, vector<676x128xf32>
    %reduce_sum3A_538 = arith.constant dense<0.000000e+00> : vector<128xf32>
    %reduce_sum3A_539 = vector.multi_reduction <add>, %select_n3A_537, %reduce_sum3A_538 [0] : vector<676x128xf32> to vector<128xf32>
    %broadcast_in_dim3A_540 = vector.shape_cast %reduce_sum3A_539 : vector<128xf32> to vector<1x128xf32>
    %div3A_541 = vector.broadcast %broadcast_in_dim3A_540 : vector<1x128xf32> to vector<676x128xf32>
    %div3A_542 = arith.divf %select_n3A_537, %div3A_541 : vector<676x128xf32>
    %mul3A_543 = arith.mulf %div3A_542, %reshape3A_506 : vector<676x128xf32>
    %reduce_sum3A_544 = arith.constant dense<0.000000e+00> : vector<128xf32>
    %reduce_sum3A_545 = vector.multi_reduction <add>, %mul3A_543, %reduce_sum3A_544 [0] : vector<676x128xf32> to vector<128xf32>
    %broadcast_in_dim3A_546 = vector.shape_cast %reduce_sum3A_545 : vector<128xf32> to vector<1x128xf32>
    %get3A_547 = arith.constant 10 : index
    %get3A_548 = arith.constant 0 : index
    %get3A_549 = arith.constant 0 : index
    %get3A_550 = vector.load %arg1[%get3A_547, %get3A_548, %get3A_549] : memref<16x26x128xf32, #tpu.memory_space<vmem>>, vector<1x26x128xf32>
    %get3A_551 = vector.shape_cast %get3A_550 : vector<1x26x128xf32> to vector<26x128xf32>
    %broadcast_in_dim3A_552 = vector.shape_cast %get3A_551 : vector<26x128xf32> to vector<26x1x128xf32>
    %broadcast_in_dim3A_553 = vector.shape_cast %get3A_551 : vector<26x128xf32> to vector<1x26x128xf32>
    %mul3A_554 = vector.broadcast %broadcast_in_dim3A_552 : vector<26x1x128xf32> to vector<26x26x128xf32>
    %mul3A_555 = vector.broadcast %broadcast_in_dim3A_553 : vector<1x26x128xf32> to vector<26x26x128xf32>
    %mul3A_556 = arith.mulf %mul3A_554, %mul3A_555 : vector<26x26x128xf32>
    %reshape3A_557 = vector.shape_cast %mul3A_556 : vector<26x26x128xf32> to vector<676x128xf32>
    %get3A_558 = arith.constant 0 : index
    %get3A_559 = arith.constant 0 : index
    %get3A_560 = vector.load %arg3[%get3A_558, %get3A_559] : memref<128x128xf32, #tpu.memory_space<vmem>>, vector<128x128xf32>
    %dot_general3A_561 = arith.constant dense<0.000000e+00> : vector<676x128xf32>
    %dot_general3A_562 = tpu.matmul %reshape3A_557, %get3A_560, %dot_general3A_561 {dimension_numbers = #tpu.dot_dimension_numbers<[1], [0], [0], [1], [0, 0, 1, 1], [], []>, transpose_lhs_hint = false} : vector<676x128xf32>, vector<128x128xf32>, vector<676x128xf32> -> vector<676x128xf32>
    %add3A_563 = vector.broadcast %get3A_44 : vector<1x128xf32> to vector<676x128xf32>
    %add3A_564 = arith.addf %dot_general3A_562, %add3A_563 : vector<676x128xf32>
    %max3A_565 = arith.constant 0.000000e+00 : f32
    %max3A_566 = vector.broadcast %max3A_565 : f32 to vector<676x128xf32>
    %max3A_567 = arith.maximumf %add3A_564, %max3A_566 : vector<676x128xf32>
    %get3A_568 = arith.constant 0 : index
    %get3A_569 = arith.constant 0 : index
    %get3A_570 = vector.load %arg4[%get3A_568, %get3A_569] : memref<128x128xf32, #tpu.memory_space<vmem>>, vector<128x128xf32>
    %dot_general3A_571 = arith.constant dense<0.000000e+00> : vector<676x128xf32>
    %dot_general3A_572 = tpu.matmul %max3A_567, %get3A_570, %dot_general3A_571 {dimension_numbers = #tpu.dot_dimension_numbers<[1], [0], [0], [1], [0, 0, 1, 1], [], []>, transpose_lhs_hint = false} : vector<676x128xf32>, vector<128x128xf32>, vector<676x128xf32> -> vector<676x128xf32>
    %jit3A_573 = arith.constant -1.000000e+30 : f32
    %broadcast_in_dim3A_574 = vector.shape_cast %lt3A_42 : vector<676x1xi1> to vector<676x1xi1>
    %broadcast_in_dim3A_575 = vector.broadcast %broadcast_in_dim3A_574 : vector<676x1xi1> to vector<676x128xi1>
    %broadcast_in_dim3A_576 = vector.broadcast %jit3A_573 : f32 to vector<676x128xf32>
    %select_n3A_577 = arith.select %broadcast_in_dim3A_575, %dot_general3A_572, %broadcast_in_dim3A_576 : vector<676x128xi1>, vector<676x128xf32>
    %reduce_max3A_578 = arith.constant dense<0xFF800000> : vector<128xf32>
    %reduce_max3A_579 = vector.multi_reduction <maximumf>, %select_n3A_577, %reduce_max3A_578 [0] : vector<676x128xf32> to vector<128xf32>
    %broadcast_in_dim3A_580 = vector.shape_cast %reduce_max3A_579 : vector<128xf32> to vector<1x128xf32>
    %sub3A_581 = vector.broadcast %broadcast_in_dim3A_580 : vector<1x128xf32> to vector<676x128xf32>
    %sub3A_582 = arith.subf %select_n3A_577, %sub3A_581 : vector<676x128xf32>
    %exp3A_583 = math.exp %sub3A_582 : vector<676x128xf32>
    %jit3A_584 = arith.constant 0.000000e+00 : f32
    %broadcast_in_dim3A_585 = vector.shape_cast %lt3A_42 : vector<676x1xi1> to vector<676x1xi1>
    %broadcast_in_dim3A_586 = vector.broadcast %broadcast_in_dim3A_585 : vector<676x1xi1> to vector<676x128xi1>
    %broadcast_in_dim3A_587 = vector.broadcast %jit3A_584 : f32 to vector<676x128xf32>
    %select_n3A_588 = arith.select %broadcast_in_dim3A_586, %exp3A_583, %broadcast_in_dim3A_587 : vector<676x128xi1>, vector<676x128xf32>
    %reduce_sum3A_589 = arith.constant dense<0.000000e+00> : vector<128xf32>
    %reduce_sum3A_590 = vector.multi_reduction <add>, %select_n3A_588, %reduce_sum3A_589 [0] : vector<676x128xf32> to vector<128xf32>
    %broadcast_in_dim3A_591 = vector.shape_cast %reduce_sum3A_590 : vector<128xf32> to vector<1x128xf32>
    %div3A_592 = vector.broadcast %broadcast_in_dim3A_591 : vector<1x128xf32> to vector<676x128xf32>
    %div3A_593 = arith.divf %select_n3A_588, %div3A_592 : vector<676x128xf32>
    %mul3A_594 = arith.mulf %div3A_593, %reshape3A_557 : vector<676x128xf32>
    %reduce_sum3A_595 = arith.constant dense<0.000000e+00> : vector<128xf32>
    %reduce_sum3A_596 = vector.multi_reduction <add>, %mul3A_594, %reduce_sum3A_595 [0] : vector<676x128xf32> to vector<128xf32>
    %broadcast_in_dim3A_597 = vector.shape_cast %reduce_sum3A_596 : vector<128xf32> to vector<1x128xf32>
    %get3A_598 = arith.constant 11 : index
    %get3A_599 = arith.constant 0 : index
    %get3A_600 = arith.constant 0 : index
    %get3A_601 = vector.load %arg1[%get3A_598, %get3A_599, %get3A_600] : memref<16x26x128xf32, #tpu.memory_space<vmem>>, vector<1x26x128xf32>
    %get3A_602 = vector.shape_cast %get3A_601 : vector<1x26x128xf32> to vector<26x128xf32>
    %broadcast_in_dim3A_603 = vector.shape_cast %get3A_602 : vector<26x128xf32> to vector<26x1x128xf32>
    %broadcast_in_dim3A_604 = vector.shape_cast %get3A_602 : vector<26x128xf32> to vector<1x26x128xf32>
    %mul3A_605 = vector.broadcast %broadcast_in_dim3A_603 : vector<26x1x128xf32> to vector<26x26x128xf32>
    %mul3A_606 = vector.broadcast %broadcast_in_dim3A_604 : vector<1x26x128xf32> to vector<26x26x128xf32>
    %mul3A_607 = arith.mulf %mul3A_605, %mul3A_606 : vector<26x26x128xf32>
    %reshape3A_608 = vector.shape_cast %mul3A_607 : vector<26x26x128xf32> to vector<676x128xf32>
    %get3A_609 = arith.constant 0 : index
    %get3A_610 = arith.constant 0 : index
    %get3A_611 = vector.load %arg3[%get3A_609, %get3A_610] : memref<128x128xf32, #tpu.memory_space<vmem>>, vector<128x128xf32>
    %dot_general3A_612 = arith.constant dense<0.000000e+00> : vector<676x128xf32>
    %dot_general3A_613 = tpu.matmul %reshape3A_608, %get3A_611, %dot_general3A_612 {dimension_numbers = #tpu.dot_dimension_numbers<[1], [0], [0], [1], [0, 0, 1, 1], [], []>, transpose_lhs_hint = false} : vector<676x128xf32>, vector<128x128xf32>, vector<676x128xf32> -> vector<676x128xf32>
    %add3A_614 = vector.broadcast %get3A_44 : vector<1x128xf32> to vector<676x128xf32>
    %add3A_615 = arith.addf %dot_general3A_613, %add3A_614 : vector<676x128xf32>
    %max3A_616 = arith.constant 0.000000e+00 : f32
    %max3A_617 = vector.broadcast %max3A_616 : f32 to vector<676x128xf32>
    %max3A_618 = arith.maximumf %add3A_615, %max3A_617 : vector<676x128xf32>
    %get3A_619 = arith.constant 0 : index
    %get3A_620 = arith.constant 0 : index
    %get3A_621 = vector.load %arg4[%get3A_619, %get3A_620] : memref<128x128xf32, #tpu.memory_space<vmem>>, vector<128x128xf32>
    %dot_general3A_622 = arith.constant dense<0.000000e+00> : vector<676x128xf32>
    %dot_general3A_623 = tpu.matmul %max3A_618, %get3A_621, %dot_general3A_622 {dimension_numbers = #tpu.dot_dimension_numbers<[1], [0], [0], [1], [0, 0, 1, 1], [], []>, transpose_lhs_hint = false} : vector<676x128xf32>, vector<128x128xf32>, vector<676x128xf32> -> vector<676x128xf32>
    %jit3A_624 = arith.constant -1.000000e+30 : f32
    %broadcast_in_dim3A_625 = vector.shape_cast %lt3A_42 : vector<676x1xi1> to vector<676x1xi1>
    %broadcast_in_dim3A_626 = vector.broadcast %broadcast_in_dim3A_625 : vector<676x1xi1> to vector<676x128xi1>
    %broadcast_in_dim3A_627 = vector.broadcast %jit3A_624 : f32 to vector<676x128xf32>
    %select_n3A_628 = arith.select %broadcast_in_dim3A_626, %dot_general3A_623, %broadcast_in_dim3A_627 : vector<676x128xi1>, vector<676x128xf32>
    %reduce_max3A_629 = arith.constant dense<0xFF800000> : vector<128xf32>
    %reduce_max3A_630 = vector.multi_reduction <maximumf>, %select_n3A_628, %reduce_max3A_629 [0] : vector<676x128xf32> to vector<128xf32>
    %broadcast_in_dim3A_631 = vector.shape_cast %reduce_max3A_630 : vector<128xf32> to vector<1x128xf32>
    %sub3A_632 = vector.broadcast %broadcast_in_dim3A_631 : vector<1x128xf32> to vector<676x128xf32>
    %sub3A_633 = arith.subf %select_n3A_628, %sub3A_632 : vector<676x128xf32>
    %exp3A_634 = math.exp %sub3A_633 : vector<676x128xf32>
    %jit3A_635 = arith.constant 0.000000e+00 : f32
    %broadcast_in_dim3A_636 = vector.shape_cast %lt3A_42 : vector<676x1xi1> to vector<676x1xi1>
    %broadcast_in_dim3A_637 = vector.broadcast %broadcast_in_dim3A_636 : vector<676x1xi1> to vector<676x128xi1>
    %broadcast_in_dim3A_638 = vector.broadcast %jit3A_635 : f32 to vector<676x128xf32>
    %select_n3A_639 = arith.select %broadcast_in_dim3A_637, %exp3A_634, %broadcast_in_dim3A_638 : vector<676x128xi1>, vector<676x128xf32>
    %reduce_sum3A_640 = arith.constant dense<0.000000e+00> : vector<128xf32>
    %reduce_sum3A_641 = vector.multi_reduction <add>, %select_n3A_639, %reduce_sum3A_640 [0] : vector<676x128xf32> to vector<128xf32>
    %broadcast_in_dim3A_642 = vector.shape_cast %reduce_sum3A_641 : vector<128xf32> to vector<1x128xf32>
    %div3A_643 = vector.broadcast %broadcast_in_dim3A_642 : vector<1x128xf32> to vector<676x128xf32>
    %div3A_644 = arith.divf %select_n3A_639, %div3A_643 : vector<676x128xf32>
    %mul3A_645 = arith.mulf %div3A_644, %reshape3A_608 : vector<676x128xf32>
    %reduce_sum3A_646 = arith.constant dense<0.000000e+00> : vector<128xf32>
    %reduce_sum3A_647 = vector.multi_reduction <add>, %mul3A_645, %reduce_sum3A_646 [0] : vector<676x128xf32> to vector<128xf32>
    %broadcast_in_dim3A_648 = vector.shape_cast %reduce_sum3A_647 : vector<128xf32> to vector<1x128xf32>
    %get3A_649 = arith.constant 12 : index
    %get3A_650 = arith.constant 0 : index
    %get3A_651 = arith.constant 0 : index
    %get3A_652 = vector.load %arg1[%get3A_649, %get3A_650, %get3A_651] : memref<16x26x128xf32, #tpu.memory_space<vmem>>, vector<1x26x128xf32>
    %get3A_653 = vector.shape_cast %get3A_652 : vector<1x26x128xf32> to vector<26x128xf32>
    %broadcast_in_dim3A_654 = vector.shape_cast %get3A_653 : vector<26x128xf32> to vector<26x1x128xf32>
    %broadcast_in_dim3A_655 = vector.shape_cast %get3A_653 : vector<26x128xf32> to vector<1x26x128xf32>
    %mul3A_656 = vector.broadcast %broadcast_in_dim3A_654 : vector<26x1x128xf32> to vector<26x26x128xf32>
    %mul3A_657 = vector.broadcast %broadcast_in_dim3A_655 : vector<1x26x128xf32> to vector<26x26x128xf32>
    %mul3A_658 = arith.mulf %mul3A_656, %mul3A_657 : vector<26x26x128xf32>
    %reshape3A_659 = vector.shape_cast %mul3A_658 : vector<26x26x128xf32> to vector<676x128xf32>
    %get3A_660 = arith.constant 0 : index
    %get3A_661 = arith.constant 0 : index
    %get3A_662 = vector.load %arg3[%get3A_660, %get3A_661] : memref<128x128xf32, #tpu.memory_space<vmem>>, vector<128x128xf32>
    %dot_general3A_663 = arith.constant dense<0.000000e+00> : vector<676x128xf32>
    %dot_general3A_664 = tpu.matmul %reshape3A_659, %get3A_662, %dot_general3A_663 {dimension_numbers = #tpu.dot_dimension_numbers<[1], [0], [0], [1], [0, 0, 1, 1], [], []>, transpose_lhs_hint = false} : vector<676x128xf32>, vector<128x128xf32>, vector<676x128xf32> -> vector<676x128xf32>
    %add3A_665 = vector.broadcast %get3A_44 : vector<1x128xf32> to vector<676x128xf32>
    %add3A_666 = arith.addf %dot_general3A_664, %add3A_665 : vector<676x128xf32>
    %max3A_667 = arith.constant 0.000000e+00 : f32
    %max3A_668 = vector.broadcast %max3A_667 : f32 to vector<676x128xf32>
    %max3A_669 = arith.maximumf %add3A_666, %max3A_668 : vector<676x128xf32>
    %get3A_670 = arith.constant 0 : index
    %get3A_671 = arith.constant 0 : index
    %get3A_672 = vector.load %arg4[%get3A_670, %get3A_671] : memref<128x128xf32, #tpu.memory_space<vmem>>, vector<128x128xf32>
    %dot_general3A_673 = arith.constant dense<0.000000e+00> : vector<676x128xf32>
    %dot_general3A_674 = tpu.matmul %max3A_669, %get3A_672, %dot_general3A_673 {dimension_numbers = #tpu.dot_dimension_numbers<[1], [0], [0], [1], [0, 0, 1, 1], [], []>, transpose_lhs_hint = false} : vector<676x128xf32>, vector<128x128xf32>, vector<676x128xf32> -> vector<676x128xf32>
    %jit3A_675 = arith.constant -1.000000e+30 : f32
    %broadcast_in_dim3A_676 = vector.shape_cast %lt3A_42 : vector<676x1xi1> to vector<676x1xi1>
    %broadcast_in_dim3A_677 = vector.broadcast %broadcast_in_dim3A_676 : vector<676x1xi1> to vector<676x128xi1>
    %broadcast_in_dim3A_678 = vector.broadcast %jit3A_675 : f32 to vector<676x128xf32>
    %select_n3A_679 = arith.select %broadcast_in_dim3A_677, %dot_general3A_674, %broadcast_in_dim3A_678 : vector<676x128xi1>, vector<676x128xf32>
    %reduce_max3A_680 = arith.constant dense<0xFF800000> : vector<128xf32>
    %reduce_max3A_681 = vector.multi_reduction <maximumf>, %select_n3A_679, %reduce_max3A_680 [0] : vector<676x128xf32> to vector<128xf32>
    %broadcast_in_dim3A_682 = vector.shape_cast %reduce_max3A_681 : vector<128xf32> to vector<1x128xf32>
    %sub3A_683 = vector.broadcast %broadcast_in_dim3A_682 : vector<1x128xf32> to vector<676x128xf32>
    %sub3A_684 = arith.subf %select_n3A_679, %sub3A_683 : vector<676x128xf32>
    %exp3A_685 = math.exp %sub3A_684 : vector<676x128xf32>
    %jit3A_686 = arith.constant 0.000000e+00 : f32
    %broadcast_in_dim3A_687 = vector.shape_cast %lt3A_42 : vector<676x1xi1> to vector<676x1xi1>
    %broadcast_in_dim3A_688 = vector.broadcast %broadcast_in_dim3A_687 : vector<676x1xi1> to vector<676x128xi1>
    %broadcast_in_dim3A_689 = vector.broadcast %jit3A_686 : f32 to vector<676x128xf32>
    %select_n3A_690 = arith.select %broadcast_in_dim3A_688, %exp3A_685, %broadcast_in_dim3A_689 : vector<676x128xi1>, vector<676x128xf32>
    %reduce_sum3A_691 = arith.constant dense<0.000000e+00> : vector<128xf32>
    %reduce_sum3A_692 = vector.multi_reduction <add>, %select_n3A_690, %reduce_sum3A_691 [0] : vector<676x128xf32> to vector<128xf32>
    %broadcast_in_dim3A_693 = vector.shape_cast %reduce_sum3A_692 : vector<128xf32> to vector<1x128xf32>
    %div3A_694 = vector.broadcast %broadcast_in_dim3A_693 : vector<1x128xf32> to vector<676x128xf32>
    %div3A_695 = arith.divf %select_n3A_690, %div3A_694 : vector<676x128xf32>
    %mul3A_696 = arith.mulf %div3A_695, %reshape3A_659 : vector<676x128xf32>
    %reduce_sum3A_697 = arith.constant dense<0.000000e+00> : vector<128xf32>
    %reduce_sum3A_698 = vector.multi_reduction <add>, %mul3A_696, %reduce_sum3A_697 [0] : vector<676x128xf32> to vector<128xf32>
    %broadcast_in_dim3A_699 = vector.shape_cast %reduce_sum3A_698 : vector<128xf32> to vector<1x128xf32>
    %get3A_700 = arith.constant 13 : index
    %get3A_701 = arith.constant 0 : index
    %get3A_702 = arith.constant 0 : index
    %get3A_703 = vector.load %arg1[%get3A_700, %get3A_701, %get3A_702] : memref<16x26x128xf32, #tpu.memory_space<vmem>>, vector<1x26x128xf32>
    %get3A_704 = vector.shape_cast %get3A_703 : vector<1x26x128xf32> to vector<26x128xf32>
    %broadcast_in_dim3A_705 = vector.shape_cast %get3A_704 : vector<26x128xf32> to vector<26x1x128xf32>
    %broadcast_in_dim3A_706 = vector.shape_cast %get3A_704 : vector<26x128xf32> to vector<1x26x128xf32>
    %mul3A_707 = vector.broadcast %broadcast_in_dim3A_705 : vector<26x1x128xf32> to vector<26x26x128xf32>
    %mul3A_708 = vector.broadcast %broadcast_in_dim3A_706 : vector<1x26x128xf32> to vector<26x26x128xf32>
    %mul3A_709 = arith.mulf %mul3A_707, %mul3A_708 : vector<26x26x128xf32>
    %reshape3A_710 = vector.shape_cast %mul3A_709 : vector<26x26x128xf32> to vector<676x128xf32>
    %get3A_711 = arith.constant 0 : index
    %get3A_712 = arith.constant 0 : index
    %get3A_713 = vector.load %arg3[%get3A_711, %get3A_712] : memref<128x128xf32, #tpu.memory_space<vmem>>, vector<128x128xf32>
    %dot_general3A_714 = arith.constant dense<0.000000e+00> : vector<676x128xf32>
    %dot_general3A_715 = tpu.matmul %reshape3A_710, %get3A_713, %dot_general3A_714 {dimension_numbers = #tpu.dot_dimension_numbers<[1], [0], [0], [1], [0, 0, 1, 1], [], []>, transpose_lhs_hint = false} : vector<676x128xf32>, vector<128x128xf32>, vector<676x128xf32> -> vector<676x128xf32>
    %add3A_716 = vector.broadcast %get3A_44 : vector<1x128xf32> to vector<676x128xf32>
    %add3A_717 = arith.addf %dot_general3A_715, %add3A_716 : vector<676x128xf32>
    %max3A_718 = arith.constant 0.000000e+00 : f32
    %max3A_719 = vector.broadcast %max3A_718 : f32 to vector<676x128xf32>
    %max3A_720 = arith.maximumf %add3A_717, %max3A_719 : vector<676x128xf32>
    %get3A_721 = arith.constant 0 : index
    %get3A_722 = arith.constant 0 : index
    %get3A_723 = vector.load %arg4[%get3A_721, %get3A_722] : memref<128x128xf32, #tpu.memory_space<vmem>>, vector<128x128xf32>
    %dot_general3A_724 = arith.constant dense<0.000000e+00> : vector<676x128xf32>
    %dot_general3A_725 = tpu.matmul %max3A_720, %get3A_723, %dot_general3A_724 {dimension_numbers = #tpu.dot_dimension_numbers<[1], [0], [0], [1], [0, 0, 1, 1], [], []>, transpose_lhs_hint = false} : vector<676x128xf32>, vector<128x128xf32>, vector<676x128xf32> -> vector<676x128xf32>
    %jit3A_726 = arith.constant -1.000000e+30 : f32
    %broadcast_in_dim3A_727 = vector.shape_cast %lt3A_42 : vector<676x1xi1> to vector<676x1xi1>
    %broadcast_in_dim3A_728 = vector.broadcast %broadcast_in_dim3A_727 : vector<676x1xi1> to vector<676x128xi1>
    %broadcast_in_dim3A_729 = vector.broadcast %jit3A_726 : f32 to vector<676x128xf32>
    %select_n3A_730 = arith.select %broadcast_in_dim3A_728, %dot_general3A_725, %broadcast_in_dim3A_729 : vector<676x128xi1>, vector<676x128xf32>
    %reduce_max3A_731 = arith.constant dense<0xFF800000> : vector<128xf32>
    %reduce_max3A_732 = vector.multi_reduction <maximumf>, %select_n3A_730, %reduce_max3A_731 [0] : vector<676x128xf32> to vector<128xf32>
    %broadcast_in_dim3A_733 = vector.shape_cast %reduce_max3A_732 : vector<128xf32> to vector<1x128xf32>
    %sub3A_734 = vector.broadcast %broadcast_in_dim3A_733 : vector<1x128xf32> to vector<676x128xf32>
    %sub3A_735 = arith.subf %select_n3A_730, %sub3A_734 : vector<676x128xf32>
    %exp3A_736 = math.exp %sub3A_735 : vector<676x128xf32>
    %jit3A_737 = arith.constant 0.000000e+00 : f32
    %broadcast_in_dim3A_738 = vector.shape_cast %lt3A_42 : vector<676x1xi1> to vector<676x1xi1>
    %broadcast_in_dim3A_739 = vector.broadcast %broadcast_in_dim3A_738 : vector<676x1xi1> to vector<676x128xi1>
    %broadcast_in_dim3A_740 = vector.broadcast %jit3A_737 : f32 to vector<676x128xf32>
    %select_n3A_741 = arith.select %broadcast_in_dim3A_739, %exp3A_736, %broadcast_in_dim3A_740 : vector<676x128xi1>, vector<676x128xf32>
    %reduce_sum3A_742 = arith.constant dense<0.000000e+00> : vector<128xf32>
    %reduce_sum3A_743 = vector.multi_reduction <add>, %select_n3A_741, %reduce_sum3A_742 [0] : vector<676x128xf32> to vector<128xf32>
    %broadcast_in_dim3A_744 = vector.shape_cast %reduce_sum3A_743 : vector<128xf32> to vector<1x128xf32>
    %div3A_745 = vector.broadcast %broadcast_in_dim3A_744 : vector<1x128xf32> to vector<676x128xf32>
    %div3A_746 = arith.divf %select_n3A_741, %div3A_745 : vector<676x128xf32>
    %mul3A_747 = arith.mulf %div3A_746, %reshape3A_710 : vector<676x128xf32>
    %reduce_sum3A_748 = arith.constant dense<0.000000e+00> : vector<128xf32>
    %reduce_sum3A_749 = vector.multi_reduction <add>, %mul3A_747, %reduce_sum3A_748 [0] : vector<676x128xf32> to vector<128xf32>
    %broadcast_in_dim3A_750 = vector.shape_cast %reduce_sum3A_749 : vector<128xf32> to vector<1x128xf32>
    %get3A_751 = arith.constant 14 : index
    %get3A_752 = arith.constant 0 : index
    %get3A_753 = arith.constant 0 : index
    %get3A_754 = vector.load %arg1[%get3A_751, %get3A_752, %get3A_753] : memref<16x26x128xf32, #tpu.memory_space<vmem>>, vector<1x26x128xf32>
    %get3A_755 = vector.shape_cast %get3A_754 : vector<1x26x128xf32> to vector<26x128xf32>
    %broadcast_in_dim3A_756 = vector.shape_cast %get3A_755 : vector<26x128xf32> to vector<26x1x128xf32>
    %broadcast_in_dim3A_757 = vector.shape_cast %get3A_755 : vector<26x128xf32> to vector<1x26x128xf32>
    %mul3A_758 = vector.broadcast %broadcast_in_dim3A_756 : vector<26x1x128xf32> to vector<26x26x128xf32>
    %mul3A_759 = vector.broadcast %broadcast_in_dim3A_757 : vector<1x26x128xf32> to vector<26x26x128xf32>
    %mul3A_760 = arith.mulf %mul3A_758, %mul3A_759 : vector<26x26x128xf32>
    %reshape3A_761 = vector.shape_cast %mul3A_760 : vector<26x26x128xf32> to vector<676x128xf32>
    %get3A_762 = arith.constant 0 : index
    %get3A_763 = arith.constant 0 : index
    %get3A_764 = vector.load %arg3[%get3A_762, %get3A_763] : memref<128x128xf32, #tpu.memory_space<vmem>>, vector<128x128xf32>
    %dot_general3A_765 = arith.constant dense<0.000000e+00> : vector<676x128xf32>
    %dot_general3A_766 = tpu.matmul %reshape3A_761, %get3A_764, %dot_general3A_765 {dimension_numbers = #tpu.dot_dimension_numbers<[1], [0], [0], [1], [0, 0, 1, 1], [], []>, transpose_lhs_hint = false} : vector<676x128xf32>, vector<128x128xf32>, vector<676x128xf32> -> vector<676x128xf32>
    %add3A_767 = vector.broadcast %get3A_44 : vector<1x128xf32> to vector<676x128xf32>
    %add3A_768 = arith.addf %dot_general3A_766, %add3A_767 : vector<676x128xf32>
    %max3A_769 = arith.constant 0.000000e+00 : f32
    %max3A_770 = vector.broadcast %max3A_769 : f32 to vector<676x128xf32>
    %max3A_771 = arith.maximumf %add3A_768, %max3A_770 : vector<676x128xf32>
    %get3A_772 = arith.constant 0 : index
    %get3A_773 = arith.constant 0 : index
    %get3A_774 = vector.load %arg4[%get3A_772, %get3A_773] : memref<128x128xf32, #tpu.memory_space<vmem>>, vector<128x128xf32>
    %dot_general3A_775 = arith.constant dense<0.000000e+00> : vector<676x128xf32>
    %dot_general3A_776 = tpu.matmul %max3A_771, %get3A_774, %dot_general3A_775 {dimension_numbers = #tpu.dot_dimension_numbers<[1], [0], [0], [1], [0, 0, 1, 1], [], []>, transpose_lhs_hint = false} : vector<676x128xf32>, vector<128x128xf32>, vector<676x128xf32> -> vector<676x128xf32>
    %jit3A_777 = arith.constant -1.000000e+30 : f32
    %broadcast_in_dim3A_778 = vector.shape_cast %lt3A_42 : vector<676x1xi1> to vector<676x1xi1>
    %broadcast_in_dim3A_779 = vector.broadcast %broadcast_in_dim3A_778 : vector<676x1xi1> to vector<676x128xi1>
    %broadcast_in_dim3A_780 = vector.broadcast %jit3A_777 : f32 to vector<676x128xf32>
    %select_n3A_781 = arith.select %broadcast_in_dim3A_779, %dot_general3A_776, %broadcast_in_dim3A_780 : vector<676x128xi1>, vector<676x128xf32>
    %reduce_max3A_782 = arith.constant dense<0xFF800000> : vector<128xf32>
    %reduce_max3A_783 = vector.multi_reduction <maximumf>, %select_n3A_781, %reduce_max3A_782 [0] : vector<676x128xf32> to vector<128xf32>
    %broadcast_in_dim3A_784 = vector.shape_cast %reduce_max3A_783 : vector<128xf32> to vector<1x128xf32>
    %sub3A_785 = vector.broadcast %broadcast_in_dim3A_784 : vector<1x128xf32> to vector<676x128xf32>
    %sub3A_786 = arith.subf %select_n3A_781, %sub3A_785 : vector<676x128xf32>
    %exp3A_787 = math.exp %sub3A_786 : vector<676x128xf32>
    %jit3A_788 = arith.constant 0.000000e+00 : f32
    %broadcast_in_dim3A_789 = vector.shape_cast %lt3A_42 : vector<676x1xi1> to vector<676x1xi1>
    %broadcast_in_dim3A_790 = vector.broadcast %broadcast_in_dim3A_789 : vector<676x1xi1> to vector<676x128xi1>
    %broadcast_in_dim3A_791 = vector.broadcast %jit3A_788 : f32 to vector<676x128xf32>
    %select_n3A_792 = arith.select %broadcast_in_dim3A_790, %exp3A_787, %broadcast_in_dim3A_791 : vector<676x128xi1>, vector<676x128xf32>
    %reduce_sum3A_793 = arith.constant dense<0.000000e+00> : vector<128xf32>
    %reduce_sum3A_794 = vector.multi_reduction <add>, %select_n3A_792, %reduce_sum3A_793 [0] : vector<676x128xf32> to vector<128xf32>
    %broadcast_in_dim3A_795 = vector.shape_cast %reduce_sum3A_794 : vector<128xf32> to vector<1x128xf32>
    %div3A_796 = vector.broadcast %broadcast_in_dim3A_795 : vector<1x128xf32> to vector<676x128xf32>
    %div3A_797 = arith.divf %select_n3A_792, %div3A_796 : vector<676x128xf32>
    %mul3A_798 = arith.mulf %div3A_797, %reshape3A_761 : vector<676x128xf32>
    %reduce_sum3A_799 = arith.constant dense<0.000000e+00> : vector<128xf32>
    %reduce_sum3A_800 = vector.multi_reduction <add>, %mul3A_798, %reduce_sum3A_799 [0] : vector<676x128xf32> to vector<128xf32>
    %broadcast_in_dim3A_801 = vector.shape_cast %reduce_sum3A_800 : vector<128xf32> to vector<1x128xf32>
    %get3A_802 = arith.constant 15 : index
    %get3A_803 = arith.constant 0 : index
    %get3A_804 = arith.constant 0 : index
    %get3A_805 = vector.load %arg1[%get3A_802, %get3A_803, %get3A_804] : memref<16x26x128xf32, #tpu.memory_space<vmem>>, vector<1x26x128xf32>
    %get3A_806 = vector.shape_cast %get3A_805 : vector<1x26x128xf32> to vector<26x128xf32>
    %broadcast_in_dim3A_807 = vector.shape_cast %get3A_806 : vector<26x128xf32> to vector<26x1x128xf32>
    %broadcast_in_dim3A_808 = vector.shape_cast %get3A_806 : vector<26x128xf32> to vector<1x26x128xf32>
    %mul3A_809 = vector.broadcast %broadcast_in_dim3A_807 : vector<26x1x128xf32> to vector<26x26x128xf32>
    %mul3A_810 = vector.broadcast %broadcast_in_dim3A_808 : vector<1x26x128xf32> to vector<26x26x128xf32>
    %mul3A_811 = arith.mulf %mul3A_809, %mul3A_810 : vector<26x26x128xf32>
    %reshape3A_812 = vector.shape_cast %mul3A_811 : vector<26x26x128xf32> to vector<676x128xf32>
    %get3A_813 = arith.constant 0 : index
    %get3A_814 = arith.constant 0 : index
    %get3A_815 = vector.load %arg3[%get3A_813, %get3A_814] : memref<128x128xf32, #tpu.memory_space<vmem>>, vector<128x128xf32>
    %dot_general3A_816 = arith.constant dense<0.000000e+00> : vector<676x128xf32>
    %dot_general3A_817 = tpu.matmul %reshape3A_812, %get3A_815, %dot_general3A_816 {dimension_numbers = #tpu.dot_dimension_numbers<[1], [0], [0], [1], [0, 0, 1, 1], [], []>, transpose_lhs_hint = false} : vector<676x128xf32>, vector<128x128xf32>, vector<676x128xf32> -> vector<676x128xf32>
    %add3A_818 = vector.broadcast %get3A_44 : vector<1x128xf32> to vector<676x128xf32>
    %add3A_819 = arith.addf %dot_general3A_817, %add3A_818 : vector<676x128xf32>
    %max3A_820 = arith.constant 0.000000e+00 : f32
    %max3A_821 = vector.broadcast %max3A_820 : f32 to vector<676x128xf32>
    %max3A_822 = arith.maximumf %add3A_819, %max3A_821 : vector<676x128xf32>
    %get3A_823 = arith.constant 0 : index
    %get3A_824 = arith.constant 0 : index
    %get3A_825 = vector.load %arg4[%get3A_823, %get3A_824] : memref<128x128xf32, #tpu.memory_space<vmem>>, vector<128x128xf32>
    %dot_general3A_826 = arith.constant dense<0.000000e+00> : vector<676x128xf32>
    %dot_general3A_827 = tpu.matmul %max3A_822, %get3A_825, %dot_general3A_826 {dimension_numbers = #tpu.dot_dimension_numbers<[1], [0], [0], [1], [0, 0, 1, 1], [], []>, transpose_lhs_hint = false} : vector<676x128xf32>, vector<128x128xf32>, vector<676x128xf32> -> vector<676x128xf32>
    %jit3A_828 = arith.constant -1.000000e+30 : f32
    %broadcast_in_dim3A_829 = vector.shape_cast %lt3A_42 : vector<676x1xi1> to vector<676x1xi1>
    %broadcast_in_dim3A_830 = vector.broadcast %broadcast_in_dim3A_829 : vector<676x1xi1> to vector<676x128xi1>
    %broadcast_in_dim3A_831 = vector.broadcast %jit3A_828 : f32 to vector<676x128xf32>
    %select_n3A_832 = arith.select %broadcast_in_dim3A_830, %dot_general3A_827, %broadcast_in_dim3A_831 : vector<676x128xi1>, vector<676x128xf32>
    %reduce_max3A_833 = arith.constant dense<0xFF800000> : vector<128xf32>
    %reduce_max3A_834 = vector.multi_reduction <maximumf>, %select_n3A_832, %reduce_max3A_833 [0] : vector<676x128xf32> to vector<128xf32>
    %broadcast_in_dim3A_835 = vector.shape_cast %reduce_max3A_834 : vector<128xf32> to vector<1x128xf32>
    %sub3A_836 = vector.broadcast %broadcast_in_dim3A_835 : vector<1x128xf32> to vector<676x128xf32>
    %sub3A_837 = arith.subf %select_n3A_832, %sub3A_836 : vector<676x128xf32>
    %exp3A_838 = math.exp %sub3A_837 : vector<676x128xf32>
    %jit3A_839 = arith.constant 0.000000e+00 : f32
    %broadcast_in_dim3A_840 = vector.shape_cast %lt3A_42 : vector<676x1xi1> to vector<676x1xi1>
    %broadcast_in_dim3A_841 = vector.broadcast %broadcast_in_dim3A_840 : vector<676x1xi1> to vector<676x128xi1>
    %broadcast_in_dim3A_842 = vector.broadcast %jit3A_839 : f32 to vector<676x128xf32>
    %select_n3A_843 = arith.select %broadcast_in_dim3A_841, %exp3A_838, %broadcast_in_dim3A_842 : vector<676x128xi1>, vector<676x128xf32>
    %reduce_sum3A_844 = arith.constant dense<0.000000e+00> : vector<128xf32>
    %reduce_sum3A_845 = vector.multi_reduction <add>, %select_n3A_843, %reduce_sum3A_844 [0] : vector<676x128xf32> to vector<128xf32>
    %broadcast_in_dim3A_846 = vector.shape_cast %reduce_sum3A_845 : vector<128xf32> to vector<1x128xf32>
    %div3A_847 = vector.broadcast %broadcast_in_dim3A_846 : vector<1x128xf32> to vector<676x128xf32>
    %div3A_848 = arith.divf %select_n3A_843, %div3A_847 : vector<676x128xf32>
    %mul3A_849 = arith.mulf %div3A_848, %reshape3A_812 : vector<676x128xf32>
    %reduce_sum3A_850 = arith.constant dense<0.000000e+00> : vector<128xf32>
    %reduce_sum3A_851 = vector.multi_reduction <add>, %mul3A_849, %reduce_sum3A_850 [0] : vector<676x128xf32> to vector<128xf32>
    %broadcast_in_dim3A_852 = vector.shape_cast %reduce_sum3A_851 : vector<128xf32> to vector<1x128xf32>
    %concatenate3A = tpu.concatenate %broadcast_in_dim3A_87, %broadcast_in_dim3A_138, %broadcast_in_dim3A_189, %broadcast_in_dim3A_240, %broadcast_in_dim3A_291, %broadcast_in_dim3A_342, %broadcast_in_dim3A_393, %broadcast_in_dim3A_444, %broadcast_in_dim3A_495, %broadcast_in_dim3A_546, %broadcast_in_dim3A_597, %broadcast_in_dim3A_648, %broadcast_in_dim3A_699, %broadcast_in_dim3A_750, %broadcast_in_dim3A_801, %broadcast_in_dim3A_852 in 0 : vector<1x128xf32>, vector<1x128xf32>, vector<1x128xf32>, vector<1x128xf32>, vector<1x128xf32>, vector<1x128xf32>, vector<1x128xf32>, vector<1x128xf32>, vector<1x128xf32>, vector<1x128xf32>, vector<1x128xf32>, vector<1x128xf32>, vector<1x128xf32>, vector<1x128xf32>, vector<1x128xf32>, vector<1x128xf32> -> vector<16x128xf32>
    %get3A_853 = arith.constant 0 : index
    %get3A_854 = arith.constant 0 : index
    %get3A_855 = vector.load %arg5[%get3A_853, %get3A_854] : memref<128x8xf32, #tpu.memory_space<vmem>>, vector<128x8xf32>
    %dot_general3A_856 = arith.constant dense<0.000000e+00> : vector<16x8xf32>
    %dot_general3A_857 = tpu.matmul %concatenate3A, %get3A_855, %dot_general3A_856 {dimension_numbers = #tpu.dot_dimension_numbers<[1], [0], [0], [1], [0, 0, 1, 1], [], []>, transpose_lhs_hint = false} : vector<16x128xf32>, vector<128x8xf32>, vector<16x8xf32> -> vector<16x8xf32>
    %get3A_858 = arith.constant 0 : index
    %get3A_859 = arith.constant 0 : index
    %get3A_860 = vector.load %arg2[%get3A_858, %get3A_859] : memref<16x8xf32, #tpu.memory_space<vmem>>, vector<16x8xf32>
    %add3A_861 = arith.addf %dot_general3A_857, %get3A_860 : vector<16x8xf32>
    %get3A_862 = arith.constant 0 : index
    %get3A_863 = arith.constant 0 : index
    %get3A_864 = vector.load %arg7[%get3A_862, %get3A_863] : memref<1x1xf32, #tpu.memory_space<vmem>>, vector<1x1xf32>
    %add3A_865 = vector.broadcast %get3A_864 : vector<1x1xf32> to vector<16x8xf32>
    %add3A_866 = arith.addf %add3A_861, %add3A_865 : vector<16x8xf32>
    %swap3A = arith.constant 0 : index
    %swap3A_867 = arith.constant 0 : index
    %swap3A_868 = vector.load %arg8[%swap3A, %swap3A_867] : memref<16x8xf32, #tpu.memory_space<vmem>>, vector<16x8xf32>
    tpu.vector_store %arg8[%swap3A, %swap3A_867], %add3A_866 {strides = array<i32>} : memref<16x8xf32, #tpu.memory_space<vmem>>, vector<16x8xf32>,
    return
  }
  func.func @transform_0(%arg0: i32) -> (i32, i32, i32) {
    %c0_i32 = arith.constant 0 : i32
    %c0_i32_0 = arith.constant 0 : i32
    %c0_i32_1 = arith.constant 0 : i32
    return %arg0, %c0_i32, %c0_i32_0 : i32, i32, i32
  }
  func.func @transform_1(%arg0: i32) -> (i32, i32) {
    %c0_i32 = arith.constant 0 : i32
    %c0_i32_0 = arith.constant 0 : i32
    return %arg0, %c0_i32 : i32, i32
  }
  func.func @transform_2(%arg0: i32) -> (i32, i32) {
    %c0_i32 = arith.constant 0 : i32
    %c0_i32_0 = arith.constant 0 : i32
    %c0_i32_1 = arith.constant 0 : i32
    return %c0_i32, %c0_i32_0 : i32, i32
  }
  func.func @transform_3(%arg0: i32) -> (i32, i32) {
    %c0_i32 = arith.constant 0 : i32
    %c0_i32_0 = arith.constant 0 : i32
    %c0_i32_1 = arith.constant 0 : i32
    return %c0_i32, %c0_i32_0 : i32, i32
  }
  func.func @transform_4(%arg0: i32) -> (i32, i32) {
    %c0_i32 = arith.constant 0 : i32
    %c0_i32_0 = arith.constant 0 : i32
    %c0_i32_1 = arith.constant 0 : i32
    return %c0_i32, %c0_i32_0 : i32, i32
  }
  func.func @transform_5(%arg0: i32) -> (i32, i32) {
    %c0_i32 = arith.constant 0 : i32
    %c0_i32_0 = arith.constant 0 : i32
    %c0_i32_1 = arith.constant 0 : i32
    return %c0_i32, %c0_i32_0 : i32, i32
  }
  func.func @transform_6(%arg0: i32) -> (i32, i32) {
    %c0_i32 = arith.constant 0 : i32
    %c0_i32_0 = arith.constant 0 : i32
    %c0_i32_1 = arith.constant 0 : i32
    return %c0_i32, %c0_i32_0 : i32, i32
  }
  func.func @transform_7(%arg0: i32) -> (i32, i32) {
    %c0_i32 = arith.constant 0 : i32
    %c0_i32_0 = arith.constant 0 : i32
    return %arg0, %c0_i32 : i32, i32
  }
}

</mosaic_0001>

<sc_bundles>
// kernel: kernel.4.cloned.1.call-start
scs
__scs_entry_jumppad:
0x0: {  	(pc) =	sbr.rel $0x88, $3  }
0x1: {  	(tag) =	ssettag $0x0;
	lr =	simm.s32 $0x1  }
0x2: {  	[smem:$0x3F98] =	sst lr;
	_ =	strace $0xD0000000  }
0x3: {  	_ = 	snop  }
0x4: {  	_ = 	snop  }
0x5: {  	_ = 	snop  }
0x6: {  	_ = 	snop  }
0x7: {  	_ = 	snop  }
__scs_overlays_trampoline_lowered:
0x8: {  	[smem:$0x3FA7] =	sst s0  }
0x9: {  	[smem:$0x3FA8] =	sst s1  }
0xa: {  	[smem:$0x3FA9] =	sst s2  }
0xb: {  	[smem:$0x3FAA] =	sst s3  }
0xc: {  	[smem:$0x3FAB] =	sst s4  }
0xd: {  	[smem:$0x3FAC] =	sst s5  }
0xe: {  	[smem:$0x3FAD] =	sst s6  }
0xf: {  	[smem:$0x3FAE] =	sst s7  }
0x10: {  	[smem:$0x3FAF] =	sst s8  }
0x11: {  	[smem:$0x3FB0] =	sst s9;
	s0 =	simm.s32 @!p0 $0x0  }
0x12: {  	s1 =	sld [smem:$0x3F96];
	s0 =	simm.s32 @p0 $0x1  }
0x13: {  	[smem:$0x3FB1] =	sst s0;
	s0 =	simm.s32 @!p1 $0x0  }
0x14: {  	s2 =	sld [smem:$0x3F95];
	s0 =	simm.s32 @p1 $0x1  }
0x15: {  	[smem:$0x3FB2] =	sst s0;
	s0 =	simm.s32 @!p2 $0x0  }
0x16: {  	s3 =	sld [smem:$0x3FDB];
	s0 =	simm.s32 @p2 $0x1  }
0x17: {  	s4 =	simm.s32 $0x1BF5;
	[smem:$0x3FB4] =	sst s0  }
0x18: {  	s0 =	sld [smem:$0x3F97];
	_ =	swait.ge [sflag:s4], $0x0  }
0x19: {  	s7 =	sld [smem:$0x3F98]  }
0x1a: {  	s8 =	sadd.s32 $0xFFFFE003, lr  }
0x1b: {  	s9 =	sadd.s32 $0xFFFFFEF7, lr;
	s5 =	simm.s32 $0xFFFFFFFF;
	p2 =	slt.u32 s8, $0xFFFFF086  }
0x1c: {  	p1 =	slt.u32 s9, $0xF7A;
	s5 =	simm.s32 @!p2 $0x0  }
0x1d: {  	s5 =	simm.s32 @p1 $0x1;
	p0 =	seq.s32 s7, s2  }
0x1e: {  	s7 =	smul.u32 @!p0 $0xF7A, s2;
	p2 =	seq.s32 @!p0 s5, $0x0  }
0x1f: {  	s9 =	smul.u32 $0xF7A, s1;
	s8 =	simm.s32 @!p0 $0x1BF5;
	p2 =	por !p2, p0  }
0x20: {  	[sflag:s8] =	ssyncset.s32 @!p0 $0xFFFFF086;
	s6 =	sadd.s32 @!p0 s3, s7;
	s7 =	simm.s32 @!p0 $0x108  }
0x21: {  	s3 =	sadd.s32 s3, s9;
	s6 =	sadd.s32 @!p0 $0x88, s6;
	s7 =	simm.s32 @p2 $0x1082  }
0x22: {  	[simem:s7], [sflag:s8] =	dma.local @!p0 [hbm:s6], $0xF7A  }
0x23: {  	s9 =	sor.u32 $0xD0000000, s2;
	s6 =	simm.s32 $0x108;
	_ =	swait.ge @!p0 [sflag:s8], $0x0  }
0x24: {  	s3 =	sadd.s32 $0x88, s3;
	s6 =	simm.s32 @!p1 $0x1082;
	[sflag:s4] =	ssyncset.s32 $0xFFFFF086  }
0x25: {  	[simem:s6], [sflag:s4] =	dma.local [hbm:s3], $0xF7A  }
0x26: {  	[smem:$0x3F98] =	sst s1;
	(tag) =	ssettag s2;
	_ =	strace s9  }
0x27: {  	s1 =	sld [smem:$0x3FA8]  }
0x28: {  	s2 =	sld [smem:$0x3FA9]  }
0x29: {  	s4 =	sld [smem:$0x3FAB]  }
0x2a: {  	p0 =	seq.s32 s5, $0x0;
	s5 =	sld [smem:$0x3FAC]  }
0x2b: {  	s6 =	sld [smem:$0x3FAD]  }
0x2c: {  	s7 =	sld [smem:$0x3FAE]  }
0x2d: {  	s3 =	simm.s32 $0x108;
	s8 =	sld [smem:$0x3FAF]  }
0x2e: {  	s3 =	simm.s32 @!p0 $0x1082;
	s9 =	sld [smem:$0x3FB0]  }
0x2f: {  	lr =	sadd.s32 s0, s3;
	s0 =	sld [smem:$0x3FA7]  }
0x30: {  	s3 =	sld [smem:$0x3FAA]  }
0x31: {  	[smem:$0x3FB3] =	sst s10  }
0x32: {  	s10 =	sld [smem:$0x3FB1];
	_ =	sdelay $0x3  }
0x33: {  	p0 =	seq.s32 s10, $0x1;
	s10 =	sld [smem:$0x3FB3];
	_ =	sdelay $0x3  }
0x34: {  	[smem:$0x3FB3] =	sst s10  }
0x35: {  	s10 =	sld [smem:$0x3FB2];
	_ =	sdelay $0x3  }
0x36: {  	p1 =	seq.s32 s10, $0x1;
	s10 =	sld [smem:$0x3FB3];
	_ =	sdelay $0x3  }
0x37: {  	[smem:$0x3FB3] =	sst s10  }
0x38: {  	s10 =	sld [smem:$0x3FB4]  }
0x39: {  	_ = 	snop;
	(pc) =	sbr.ind lr, $3  }
0x3a: {  	_ = 	snop  }
0x3b: {  	_ = 	snop  }
0x3c: {  	p2 =	seq.s32 s10, $0x1;
	s10 =	sld [smem:$0x3FB3]  }
0x3d: {  	_ =	shalt  }
0x3e: {  	_ =	shalt  }
0x3f: {  	_ =	shalt  }
0x40: {  	_ =	shalt  }
0x41: {  	_ =	shalt  }
0x42: {  	_ =	shalt  }
0x43: {  	_ =	shalt  }
0x44: {  	_ =	shalt  }
0x45: {  	_ =	shalt  }
0x46: {  	_ =	shalt  }
0x47: {  	_ =	shalt  }
0x48: {  	_ =	shalt  }
0x49: {  	_ =	shalt  }
0x4a: {  	_ =	shalt  }
0x4b: {  	_ =	shalt  }
0x4c: {  	_ =	shalt  }
0x4d: {  	_ =	shalt  }
0x4e: {  	_ =	shalt  }
0x4f: {  	_ =	shalt  }
0x50: {  	_ =	shalt  }
0x51: {  	_ =	shalt  }
0x52: {  	_ =	shalt  }
0x53: {  	_ =	shalt  }
0x54: {  	_ =	shalt  }
0x55: {  	_ =	shalt  }
0x56: {  	_ =	shalt  }
0x57: {  	_ =	shalt  }
0x58: {  	_ =	shalt  }
0x59: {  	_ =	shalt  }
0x5a: {  	_ =	shalt  }
0x5b: {  	_ =	shalt  }
0x5c: {  	_ =	shalt  }
0x5d: {  	_ =	shalt  }
0x5e: {  	_ =	shalt  }
0x5f: {  	_ =	shalt  }
0x60: {  	_ =	shalt  }
0x61: {  	_ =	shalt  }
0x62: {  	_ =	shalt  }
0x63: {  	_ =	shalt  }
0x64: {  	_ =	shalt  }
0x65: {  	_ =	shalt  }
0x66: {  	_ =	shalt  }
0x67: {  	_ =	shalt  }
0x68: {  	_ =	shalt  }
0x69: {  	_ =	shalt  }
0x6a: {  	_ =	shalt  }
0x6b: {  	_ =	shalt  }
0x6c: {  	_ =	shalt  }
0x6d: {  	_ =	shalt  }
0x6e: {  	_ =	shalt  }
0x6f: {  	_ =	shalt  }
0x70: {  	_ =	shalt  }
0x71: {  	_ =	shalt  }
0x72: {  	_ =	shalt  }
0x73: {  	_ =	shalt  }
0x74: {  	_ =	shalt  }
0x75: {  	_ =	shalt  }
0x76: {  	_ =	shalt  }
0x77: {  	_ =	shalt  }
0x78: {  	_ =	shalt  }
0x79: {  	_ =	shalt  }
0x7a: {  	_ =	shalt  }
0x7b: {  	_ =	shalt  }
0x7c: {  	_ =	shalt  }
0x7d: {  	_ =	shalt  }
0x7e: {  	_ =	shalt  }
0x7f: {  	_ =	shalt  }
0x80: {  	_ =	shalt  }
0x81: {  	_ =	shalt  }
0x82: {  	_ =	shalt  }
0x83: {  	_ =	shalt  }
0x84: {  	_ =	shalt  }
0x85: {  	_ =	shalt  }
0x86: {  	_ =	shalt  }
0x87: {  	_ =	shalt  }
.Lfunc_end0:
.L_simem_size_0:
called_computation_lowered:
.L_overlay_start_0:
0x88: {  	s2 =	sld [smem:$0x3FD9]  }
0x89: {  	s3 =	sld [smem:$0x3FFE];
	_ =	sdelay $0x1  }
0x8a: {  	s1 =	srdreg.scid  }
0x8b: {  	s0 =	sand.u32 $0x1, s1  }
0x8c: {  	s17 =	sshll.u32 s0, $0xA;
	s2 =	sadd.s32 s3, s2  }
0x8d: {  	s2 =	sadd.s32 s2, s17  }
0x8e: {  	[smem:$0x3FBF] =	sst s2  }
0x8f: {  	_ = 	snop  }
0x90: {  	s2 =	sld [smem:$0x3FD0];
	(tm) =	ssettm $0x1  }
0x91: {  	s18 =	sld [smem:$0x3FFB];
	_ =	sdelay $0x3  }
0x92: {  	_ =	strace s18  }
0x93: {  	s3 =	sld [smem:$0x3FFC];
	_ =	sdelay $0x3  }
0x94: {  	_ =	strace s3  }
0x95: {  	s3 =	sld [smem:$0x3FFD];
	_ =	sdelay $0x3  }
0x96: {  	_ =	strace s3  }
0x97: {  	_ =	strace $0x8FFFFFFF  }
0x98: {  	s19 =	sld [smem:$0x3FDB];
	_ =	sdelay $0x1  }
0x99: {  	s4 =	simm.s32 $_scs_section_size  }
0x9a: {  	s5 =	simm.s32 $_size__tile_overlayer_lowered;
	s6 =	simm.s32 $_tile_overlayer_lowered  }
0x9b: {  	s22 =	simm.s32 $0x1BFF;
	s21 =	sshll.u32 s6, $0x1;
	s3 =	sadd.s32 s4, s19  }
0x9c: {  	s7 =	simm.s32 $0x0;
	s20 =	sshll.u32 s5, $0x1;
	s5 =	sadd.s32 s21, s3  }
0x9d: {  	[timem:s7], [sflag:s22] =	dma.local [hbm:s5], s20  }
0x9e: {  	_ =	swait.ge [sflag:s22], s20  }
0x9f: {  	s4 =	ssub.s32 $0x0, s20;
	[sflag:s22] =	ssyncset.done $0x0  }
0xa0: {  	[sflag:s22] =	ssyncadd.s32 s4;
	_ =	sdelay $0x1  }
0xa1: {  	s23 =	simm.s32 $0x1B8B  }
0xa2: {  	_ =	swait.ge [sflag:s23], $0x1  }
0xa3: {  	[sflag:s23] =	ssyncset.done $0x0  }
0xa4: {  	s25 =	simm.s32 $0x1B8E;
	s24 =	sld [smem:$0x3FFE];
	[sflag:s23] =	ssyncadd.s32 $0xFFFFFFFF  }
0xa5: {  	s26 =	simm.s32 $execute0_lowered;
	[smem:$0x3FD2] =	sst s25  }
0xa6: {  	s5 =	sshll.u32 s26, $0x1;
	_ =	strace $0x80000046;
	[dreg:$0x1] =	wrdreg $0xFFFFFFFF  }
0xa7: {  	s28 =	simm.s32 $_size_execute0_lowered;
	s3 =	sadd.s32 s3, s5;
	[dreg:$0x0] =	wrdreg $0x0  }
0xa8: {  	s5 =	sshll.u32 s28, $0x1;
	[dreg:$0x2] =	wrdreg s3  }
0xa9: {  	[dreg:$0x3] =	wrdreg s5  }
0xaa: {  	[dreg:$0x4] =	wrdreg $0xC0  }
0xab: {  	_ =	task [dreg:s7], $0x5FFFF  }
0xac: {  	[dreg:$0x1] =	wrdreg $0xFFFFFFFF  }
0xad: {  	[dreg:$0x0] =	wrdreg $0x60  }
0xae: {  	[dreg:$0x2] =	wrdreg s24  }
0xaf: {  	[dreg:$0x3] =	wrdreg s2  }
0xb0: {  	[dreg:$0x4] =	wrdreg $0x9  }
0xb1: {  	_ =	task.clear_ibuf [dreg:s7], $0x5FFFF;
	_ =	strace $0x90000046  }
0xb2: {  	s29 =	simm.s32 $0x9;
	_ =	strace $0x80000048  }
0xb3: {  	_ =	swait.ge [sflag:s29], $0x1  }
0xb4: {  	[sflag:s29] =	ssyncadd.s32 $0xFFFFFFFF  }
0xb5: {  	_ =	strace $0x90000048  }
0xb6: {  	_ =	sfence  }
0xb7: {  	s30 =	sld [smem:$0x0];
	_ =	sdelay $0x2  }
0xb8: {  	s31 =	sshll.u32 s1, $0xD;
	s1 =	sshrl.u32 s1, $0x2  }
0xb9: {  	s3 =	sand.u32 $0x4000, s31;
	s1 =	sadd.s32 s1, s30  }
0xba: {  	s0 =	sor.u32 s3, s0;
	s1 =	sshll.u32 s1, $0x11  }
0xbb: {  	s0 =	sor.u32 s1, s0  }
0xbc: {  	s0 =	sadd.s32 $0x8F2B, s0  }
0xbd: {  	[sflag:s0] =	ssyncadd.remote.s32 $0x1  }
0xbe: {  	_ =	sfence.sel $0xFFFF  }
0xbf: {  	[dreg:$0x0] =	wrdreg $0xFFFFFFFF;
	(pc) =	sbr.abs _section_cstart, $3  }
0xc0: {  	[dreg:$0x1] =	wrdreg $0xFFFFFFFF  }
0xc1: {  	_ =	task.clear_ibuf [dreg:s7], $0x2FFFF;
	_ =	strace $0x9FFFFFFF  }
0xc2: {  	(tm) =	ssettm $0x7FFFFFFF  }
0xc3: {  	_ =	shalt  }
tec
execute0_lowered:
.L_overlay_start_1:
0x0: {  	(tag) =	ssettag $0x1  }
0x1: {  	s8 =	rddreg [dreg:$0x0]  }
0x2: {  	s11 =	rddreg [dreg:$0x1]  }
0x3: {  	s0 =	rddreg [dreg:$0x2];
	s1 =	simm.s32 $0x0  }
0x4: {  	s7 =	srdreg.scid;
	s3 =	stileid.u32;
	s14 =	simm.s32 $0x80  }
0x5: {  	s15 =	simm.s32 $0x1;
	s16 =	simm.s32 $0xD00;
	s17 =	simm.s32 $0x880  }
0x6: {  	s18 =	simm.s32 $0x1080;
	s19 =	simm.s32 $0x1180;
	s20 =	simm.s32 $0x2  }
0x7: {  	s21 =	simm.s32 $0x5180;
	s22 =	simm.s32 $0x0;
	[smem:$0x7FF] =	sst s1  }
0x8: {  	s2 =	sadd.s32 $0x27ADC00, s8;
	s4 =	sadd.s32 $0xB400, s8;
	s5 =	sadd.s32 $0x1800, s8  }
0x9: {  	s6 =	sadd.s32 $0x8000, s8;
	s9 =	sand.u32 $0x1, s7;
	s7 =	sadd.s32 $0x4C00, s8  }
0xa: {  	s12 =	sshll.u32 s3, $0x1;
	s8 =	sadd.s32 $0x5AA00, s8;
	s10 =	ssub.s32 $0x2, s9  }
0xb: {  	_ =	strace $0x80000047;
	s12 =	sor.u32 s9, s12;
	s13 =	sshrl.u32 s10, $0x1  }
0xc: {  	v1 =	vlaneseq.u32;
	s9 =	sshll.u32 s12, $0x4;
	s13 =	ssub.s32 s10, s13;
	s10 =	smul.u32 $0xD000, s12  }
0xd: {  	v0 =	vimm.f32 $0.0e+00;
	v1 =	vmul.u32 $0x80, v1;
	s11 =	sadd.s32 s11, s9;
	s12 =	smax.u32 s13, $0x1;
	s13 =	simm.s32 $0x3  }
.LBB2_1:
0xe: {  	[tilespmem:$0x5180] =	vst v0  }
0xf: {  	[tilespmem:$0x5190] =	vst v0  }
0x10: {  	[tilespmem:$0x51A0] =	vst v0  }
0x11: {  	[tilespmem:$0x51B0] =	vst v0  }
0x12: {  	[tilespmem:$0x51C0] =	vst v0  }
0x13: {  	[tilespmem:$0x51D0] =	vst v0  }
0x14: {  	[tilespmem:$0x51E0] =	vst v0  }
0x15: {  	[tilespmem:$0x51F0] =	vst v0;
	s23 =	simm.s32 $0x0  }
.LBB2_2:
0x16: {  	s24 =	sshll.u32 s23, $0x9  }
0x17: {  	s24 =	sor.u32 s9, s24  }
0x18: {  	s26 =	simm.s32 $0x0;
	s25 =	sadd.s32 s5, s24  }
0x19: {  	[tilespmem:s26], [sflag:$0x3] =	stream.linear.gather [hbm4b:s25+s26], $0x80, $0x38;
	[tilespmem:$0x5200] =	vst v63  }
0x1a: {  	_ =	swait.ge [sflag:s13], $0x80  }
0x1b: {  	[sflag:s13] =	ssyncset.done $0x0  }
0x1c: {  	[sflag:s13] =	ssyncadd.s32 $0xFFFFFF80  }
0x1d: {  	[tilespmem:s14], [sflag:$0x1] =	stream.indirect.gather [hbm4b:s2+s14], $0x10, s26, s14, $0xb8;
	[tilespmem:$0x5200] =	vst v63  }
0x1e: {  	_ =	swait.ge [sflag:s15], $0x800  }
0x1f: {  	[sflag:s15] =	ssyncset.done $0x0  }
0x20: {  	s28 =	simm.s32 $0x0;
	[sflag:s15] =	ssyncadd.s32 $0xFFFFF800  }
0x21: {  	v2 =	vld [tilespmem:s28+$0x80]  }
0x22: {  	s31 =	sand.u32 $0x1E00, s26  }
0x23: {  	s29 =	sshrl.u32 s31, $0x2;
	s26 =	sand.u32 $0x70, s26  }
0x24: {  	s25 =	simm.s32 $0x10;
	s28 =	sor.u32 s26, s29;
	s26 =	simm.s32 $0x40  }
.LBB2_3:
0x25: {  	s29 =	sshra.s32 s26, $0x2  }
0x26: {  	p0 =	sne.s32 s25, $0x7F0;
	[tilespmem:s28+$0x880] =	vst v2;
	s28 =	smov.u32 s25;
	s25 =	sadd.s32 $0x10, s25  }
.Ltmp0:
0x27: {  	v2 =	vld [tilespmem:s29+$0x80];
	(pc) =	sbr.rel @p0 .LBB2_3-.Ltmp0, $4  }
0x28: {  	_ = 	snop  }
0x29: {  	s29 =	sand.u32 $0x1E00, s26  }
0x2a: {  	s28 =	sand.u32 $0x70, s28;
	s29 =	sshrl.u32 s29, $0x2  }
0x2b: {  	s26 =	sadd.s32 $0x40, s26;
	s28 =	sor.u32 s28, s29  }
0x2c: {  	s25 =	sshll.u32 s23, $0x7  }
0x2d: {  	s25 =	sadd.s32 s10, s25  }
0x2e: {  	s25 =	sshrl.u32 s25, $0x3  }
0x2f: {  	[tilespmem:s28+$0x880] =	vst v2;
	s25 =	sadd.s32 s8, s25  }
0x30: {  	[hbm4b:s25+s14] =	stream.strided.scatter [tilespmem:s17], [sflag:$0x3], $0x800, s16, s14, $0x38;
	[tilespmem:$0x5200] =	vst v63  }
0x31: {  	_ =	swait.ge [sflag:s13], $0x800  }
0x32: {  	[sflag:s13] =	ssyncset.done $0x0  }
0x33: {  	s29 =	sadd.s32 s6, s24;
	s26 =	simm.s32 $0x0;
	[sflag:s13] =	ssyncadd.s32 $0xFFFFF800  }
0x34: {  	[tilespmem:s18], [sflag:$0x3] =	stream.linear.gather [hbm4b:s29+s26], $0x80, $0x38;
	[tilespmem:$0x5200] =	vst v63  }
0x35: {  	_ =	swait.ge [sflag:s13], $0x80  }
0x36: {  	[sflag:s13] =	ssyncset.done $0x0  }
0x37: {  	s30 =	sadd.s32 s7, s24;
	s31 =	simm.s32 $0x1100;
	[sflag:s13] =	ssyncadd.s32 $0xFFFFFF80  }
0x38: {  	[tilespmem:s31], [sflag:$0x3] =	stream.linear.gather [hbm4b:s30+s26], $0x80, $0x38;
	[tilespmem:$0x5200] =	vst v63  }
0x39: {  	_ =	swait.ge [sflag:s13], $0x80  }
0x3a: {  	[sflag:s13] =	ssyncset.done $0x0  }
0x3b: {  	[sflag:s13] =	ssyncadd.s32 $0xFFFFFF80  }
0x3c: {  	[tilespmem:s19], [sflag:$0x2] =	stream.indirect.gather [hbm4b:s4+s14], $0x80, s18, s14, $0xb8;
	[tilespmem:$0x5200] =	vst v63  }
0x3d: {  	_ =	swait.ge [sflag:s20], $0x4000  }
0x3e: {  	[sflag:s20] =	ssyncset.done $0x0  }
0x3f: {  	[sflag:s20] =	ssyncadd.s32 $0xFFFFC000  }
0x40: {  	v2 =	vld [tilespmem:s31+$0x0];
	_ =	sdelay $0x2  }
0x41: {  	v3 =	vmov s26  }
0x42: {  	v3 =	vshll.u32 v3, $0x7  }
0x43: {  	v3 =	vor.u32 v1, v3;
	v4 =	vand.u32 $0xFFFFFFF8, v2  }
0x44: {  	v2 =	vand.u32 $0x7, v2;
	v3 =	vadd.s32 v3, v4  }
0x45: {  	v2 =	vor.u32 v2, v3;
	_ =	sdelay $0x2  }
0x46: {  	s24 =	simm.s32 $0x5180  }
0x47: {  	v3 =	vld [tilespmem:s24+$0x0]  }
0x48: {  	v2 =	vld.idx.msk [tilespmem:v2+s19+$0x0], $0xffff;
	_ =	sdelay $0x4  }
0x49: {  	v2 =	vadd.f32 v3, v2;
	_ =	sdelay $0x1  }
0x4a: {  	s25 =	simm.s32 $0x1110;
	[tilespmem:s24+$0x0] =	vst v2  }
0x4b: {  	s28 =	simm.s32 $0x20;
	s26 =	simm.s32 $0x10;
	v2 =	vld [tilespmem:s25+$0x0]  }
.LBB2_5:
0x4c: {  	p0 =	sne.s32 s28, $0x70;
	_ =	sdelay $0x1  }
0x4d: {  	v3 =	vmov s26;
	s26 =	smov.u32 s28  }
0x4e: {  	v3 =	vshll.u32 v3, $0x7  }
0x4f: {  	v3 =	vor.u32 v1, v3;
	v4 =	vand.u32 $0xFFFFFFF8, v2  }
0x50: {  	v2 =	vand.u32 $0x7, v2;
	v3 =	vadd.s32 v3, v4  }
0x51: {  	v2 =	vor.u32 v2, v3;
	_ =	sdelay $0x4  }
0x52: {  	s24 =	sadd.s32 $0x10, s24;
	v2 =	vld.idx.msk [tilespmem:v2+s19+$0x0], $0xffff  }
0x53: {  	v3 =	vld [tilespmem:s24+$0x0];
	_ =	sdelay $0x3  }
.Ltmp1:
0x54: {  	(pc) =	sbr.rel @p0 .LBB2_5-.Ltmp1, $3  }
0x55: {  	v2 =	vadd.f32 v3, v2;
	_ =	sdelay $0x1  }
0x56: {  	s25 =	sadd.s32 $0x10, s25;
	[tilespmem:s24+$0x0] =	vst v2  }
0x57: {  	s28 =	sadd.s32 $0x10, s28;
	v2 =	vld [tilespmem:s25+$0x0]  }
0x58: {  	_ =	sdelay $0x1  }
0x59: {  	v3 =	vmov s26  }
0x5a: {  	v3 =	vshll.u32 v3, $0x7  }
0x5b: {  	v3 =	vor.u32 v1, v3;
	v4 =	vand.u32 $0xFFFFFFF8, v2  }
0x5c: {  	v2 =	vand.u32 $0x7, v2;
	v3 =	vadd.s32 v3, v4  }
0x5d: {  	v2 =	vor.u32 v2, v3;
	_ =	sdelay $0x2  }
0x5e: {  	s24 =	sadd.s32 $0x10, s24  }
0x5f: {  	v3 =	vld [tilespmem:s24+$0x0]  }
0x60: {  	v2 =	vld.idx.msk [tilespmem:v2+s19+$0x0], $0xffff  }
0x61: {  	s23 =	sadd.s32 $0x1, s23  }
0x62: {  	p0 =	sne.s32 s23, $0x1A  }
.Ltmp2:
0x63: {  	_ = 	snop;
	(pc) =	sbr.rel @p0 .LBB2_2-.Ltmp2, $3  }
0x64: {  	_ = 	snop  }
0x65: {  	v2 =	vadd.f32 v3, v2;
	_ =	sdelay $0x1  }
0x66: {  	[tilespmem:s24+$0x0] =	vst v2  }
0x67: {  	s22 =	sadd.s32 $0x1, s22  }
0x68: {  	p0 =	sne.s32 s22, s12  }
.Ltmp3:
0x69: {  	_ = 	snop;
	(pc) =	sbr.rel @p0 .LBB2_1-.Ltmp3, $4  }
0x6a: {  	[hbm4b:s11+s1] =	stream.linear.scatter [tilespmem:s21], [sflag:$0x3], $0x80, $0x38;
	[tilespmem:$0x5200] =	vst v63  }
0x6b: {  	_ =	swait.ge [sflag:s13], $0x80  }
0x6c: {  	[sflag:s13] =	ssyncset.done $0x0  }
0x6d: {  	[sflag:s13] =	ssyncadd.s32 $0xFFFFFF80  }
0x6e: {  	_ =	sfence.sel $0x180000  }
0x6f: {  	[bflag:$0x0] =	sbarrier.arrive $0xFFFF  }
0x70: {  	p0 =	sne.s32 s3, $0x0;
	_ =	strace $0x90000047  }
0x71: {  	s0 =	sadd.s32 @!p0 $0x100000, s0;
	[bflag:$0x2] =	sbarrier.arrive $0xFFFF  }
0x72: {  	[sflag:s0] =	ssyncadd.tile.s32 @!p0 $0x1;
	_ =	shalt  }
.Lfunc_end2:
_tile_overlayer_lowered:
.L_overlay_start_2:
0x73: {  	(tag) =	ssettag $0x2  }
0x74: {  	s0 =	rddreg [dreg:$0x0];
	s2 =	stileid.u32  }
0x75: {  	s1 =	rddreg [dreg:$0x1];
	p0 =	sne.s32 s2, $0x0  }
0x76: {  	s3 =	rddreg [dreg:$0x2];
	[bflag:$0x3] =	sbarrier.arrive $0xFFFF;
	s2 =	simm.s32 @!p0 $0x1C03  }
0x77: {  	[timem:s3], [sflag:s2] =	dma.local @!p0 [hbm:s0], s1  }
0x78: {  	s0 =	simm.s32 @!p0 $0x3  }
0x79: {  	_ =	swait.ge @!p0 [sflag:s0], s1  }
0x7a: {  	s1 =	ssub.s32 @!p0 $0x0, s1;
	[sflag:s0] =	ssyncset.done @!p0 $0x0  }
0x7b: {  	[sflag:s0] =	ssyncadd.s32 @!p0 s1  }
0x7c: {  	[bflag:$0x3] =	sbarrier.arrive $0xFFFF  }
0x7d: {  	_ =	shalt  }

</sc_bundles>
